<compile_context>
chip_gen: v7x
topology: tpu7x:2x2x1
jax: 0.10.2.dev20260603
libtpu: 0.0.44.dev20260713+nightly
codegen_flags: <defaults>
</compile_context>

<pallas_src>
import functools

import jax
import jax.numpy as jnp
from jax import lax
from jax.experimental import pallas as pl
from jax.experimental.pallas import tpu as pltpu
from jax.experimental.pallas import tpu_sc as plsc

L = 16
NC = 2
NS = 16
NW = NC * NS
CB = 128


def kernel(features, state, batch):
    N, D = features.shape
    G = state.shape[0]
    CPW = ((N + NW - 1) // NW + L - 1) // L * L
    C = 112
    NCHUNK = CPW // C
    NBUF = 4
    assert NCHUNK % NBUF == 0

    state_flat = state.reshape(G)

    mesh = plsc.VectorSubcoreMesh(core_axis_name="c", subcore_axis_name="s")

    @functools.partial(
        pl.kernel,
        mesh=mesh,
        compiler_params=pltpu.CompilerParams(
            needs_layout_passes=False,
            skip_device_barrier=True,
            disable_bounds_checks=True,
            disable_semaphore_checks=True,
        ),
        out_type=(
            jax.ShapeDtypeStruct((N,), jnp.float32),
            jax.ShapeDtypeStruct((N,), jnp.float32),
            jax.ShapeDtypeStruct((N,), jnp.float32),
            jax.ShapeDtypeStruct((N,), jnp.float32),
        ),
        scratch_types=(
            [pltpu.VMEM((C, CB), jnp.float32)] * NBUF
            + [
                pltpu.VMEM((CPW,), jnp.int32),
                pltpu.VMEM((G,), jnp.int32),
                pltpu.VMEM((CPW,), jnp.float32),
                pltpu.VMEM((CPW,), jnp.float32),
                pltpu.VMEM((CPW,), jnp.float32),
                pltpu.VMEM((CPW,), jnp.float32),
            ]
            + [pltpu.SemaphoreType.DMA] * (NBUF + 2)
        ),
    )
    def sc_kernel(feat_hbm, state_hbm, batch_hbm, e_hbm, x_hbm, y_hbm, z_hbm,
                  *scratch):
        fbufs = scratch[:NBUF]
        batch_v, state_v, e_v, x_v, y_v, z_v = scratch[NBUF:NBUF + 6]
        sems = scratch[NBUF + 6:NBUF + 6 + NBUF]
        sem_in, sem_out = scratch[NBUF + 6 + NBUF:]
        wid = lax.axis_index("s") * NC + lax.axis_index("c")
        base = jnp.minimum(wid * CPW, N - CPW)

        def feat_dma(t, b):
            return pltpu.make_async_copy(
                feat_hbm.at[pl.ds(base + t * C, C), pl.ds(0, CB)],
                fbufs[b], sems[b])

        cp_state = pltpu.make_async_copy(state_hbm, state_v, sem_in)
        cp_batch = pltpu.make_async_copy(
            batch_hbm.at[pl.ds(base, CPW)], batch_v, sem_in)
        cp_state.start()
        cp_batch.start()
        for t in range(NBUF - 1):
            feat_dma(t, t).start()
        cp_state.wait()
        cp_batch.wait()

        iota = lax.iota(jnp.int32, L)
        c2 = jnp.full((L,), 2, jnp.int32)
        c3 = jnp.full((L,), 3, jnp.int32)
        c4 = jnp.full((L,), 4, jnp.int32)

        def outer(k, carry):
            t0 = k * NBUF
            for b in range(NBUF):
                t = t0 + b
                nxt = t + NBUF - 1

                @pl.when(nxt < NCHUNK)
                def _(nxt=nxt, b=b):
                    feat_dma(nxt, (b + NBUF - 1) % NBUF).start()

                feat_dma(t, b).wait()
                fb = fbufs[b]

                def body(j, carry2, t=t, fb=fb):
                    n = iota + j * L
                    g = batch_v[pl.ds(t * C + j * L, L)]
                    s = plsc.load_gather(state_v, [g])
                    e = plsc.load_gather(fb, [n, s])
                    x = plsc.load_gather(fb, [n, c4])
                    y = plsc.load_gather(fb, [n, c2])
                    z = plsc.load_gather(fb, [n, c3])
                    o = pl.ds(t * C + j * L, L)
                    e_v[o] = e
                    x_v[o] = x
                    y_v[o] = y
                    z_v[o] = z
                    return carry2

                lax.fori_loop(0, C // L, body, 0)
            return carry

        lax.fori_loop(0, NCHUNK // NBUF, outer, 0)

        outs = [
            pltpu.make_async_copy(v, h.at[pl.ds(base, CPW)], sem_out)
            for v, h in ((e_v, e_hbm), (x_v, x_hbm), (y_v, y_hbm), (z_v, z_hbm))
        ]
        for cp in outs:
            cp.start()
        for cp in outs:
            cp.wait()

    e, x, y, z = sc_kernel(features, state_flat, batch)
    return e.reshape(N, 1), jnp.stack([x, y, z], axis=-1)

# --- scband reference (transcript-rebuilt; emitter-appended) ---
"""Pipeline reference for scband-nacprocessor-54571854463274 (READ-ONLY COPY).

The authoritative reference and input builder live on the scoring server;
editing this copy changes nothing except your own understanding.
"""

import jax, jax.numpy as jnp
import numpy as np

# NACProcessor (NequIP-style) forward:
#  - features: node features [N, F]
#  - state: per-graph electronic state index [G, 1]
#  - batch: per-node graph id [N]
#  per_atom_energy = gather(features, -1, state[batch])           -> [N, 1]
#  nac = CartesianTensor('i').to_cartesian(features[:, 2:5])       -> [N, 3]
# For irreps '1o' e3nn stores components in (y, z, x) order; to_cartesian
# applies the change-of-basis back to cartesian (x, y, z).

N_NODES = 100000
D_FEAT = 256
N_GRAPHS = 512
N_STATES = 3


def setup_inputs(seed: int = 0) -> dict:
    key = jax.random.key(seed)
    k1, k2, k3 = jax.random.split(key, 3)
    features = jax.random.normal(k1, (N_NODES, D_FEAT), dtype=jnp.float32)
    state = jax.random.randint(k2, (N_GRAPHS, 1), 0, N_STATES, dtype=jnp.int32)
    batch = jnp.sort(jax.random.randint(k3, (N_NODES,), 0, N_GRAPHS, dtype=jnp.int32))
    return {"features": features, "state": state, "batch": batch}


def _to_cartesian_1o(v):
    # e3nn '1o' irrep ordering is (y, z, x); cartesian = (x, y, z)
    return jnp.stack([v[..., 2], v[..., 0], v[..., 1]], axis=-1)


def reference(features, state, batch):
    # state_idx = torch.index_select(state, 0, batch) -> [N, 1]
    state_idx = jnp.take(state, batch, axis=0)
    # per_atom_energy = torch.gather(features, -1, state_idx) -> [N, 1]
    per_atom_energy = jnp.take_along_axis(features, state_idx, axis=-1)
    # nac = to_cartesian(torch.narrow(features, -1, 2, 3)) -> [N, 3]
    nac = _to_cartesian_1o(features[:, 2:5])
    return per_atom_energy, nac

if __name__ == "__main__":
    import jax
    _d = setup_inputs()
    print(jax.jit(kernel)(*tuple(_d.values())))

</pallas_src>

<mosaic_0001>
#map = affine_map<(d0, d1) -> (0, 0)>
#map1 = affine_map<(d0, d1) -> (0)>
module attributes {stable_mosaic.version = 14 : i64} {
  func.func @sc_kernel(%arg0: i32, %arg1: i32, %arg2: memref<100000x256xf32, #tpu.memory_space<hbm>>, %arg3: memref<512xi32, #tpu.memory_space<hbm>>, %arg4: memref<100000xi32, #tpu.memory_space<hbm>>, %arg5: memref<100000xf32, #tpu.memory_space<hbm>>, %arg6: memref<100000xf32, #tpu.memory_space<hbm>>, %arg7: memref<100000xf32, #tpu.memory_space<hbm>>, %arg8: memref<100000xf32, #tpu.memory_space<hbm>>, %arg9: memref<112x128xf32, #tpu.memory_space<vmem>>, %arg10: memref<112x128xf32, #tpu.memory_space<vmem>>, %arg11: memref<112x128xf32, #tpu.memory_space<vmem>>, %arg12: memref<112x128xf32, #tpu.memory_space<vmem>>, %arg13: memref<3136xi32, #tpu.memory_space<vmem>>, %arg14: memref<512xi32, #tpu.memory_space<vmem>>, %arg15: memref<3136xf32, #tpu.memory_space<vmem>>, %arg16: memref<3136xf32, #tpu.memory_space<vmem>>, %arg17: memref<3136xf32, #tpu.memory_space<vmem>>, %arg18: memref<3136xf32, #tpu.memory_space<vmem>>, %arg19: memref<!tpu.dma_semaphore, #tpu.memory_space<semaphore_mem>>, %arg20: memref<!tpu.dma_semaphore, #tpu.memory_space<semaphore_mem>>, %arg21: memref<!tpu.dma_semaphore, #tpu.memory_space<semaphore_mem>>, %arg22: memref<!tpu.dma_semaphore, #tpu.memory_space<semaphore_mem>>, %arg23: memref<!tpu.dma_semaphore, #tpu.memory_space<semaphore_mem>>, %arg24: memref<!tpu.dma_semaphore, #tpu.memory_space<semaphore_mem>>) attributes {dimension_semantics = [#tpu.dimension_semantics<core_parallel>, #tpu.dimension_semantics<subcore_parallel>], iteration_bounds = array<i64: 2, 16>, scalar_prefetch = 0 : i64, scratch_operands = 16 : i64, tpu.core_type = #tpu.core_type<sc_vector_subcore>, window_params = [{transform_indices = #map}, {transform_indices = #map1}, {transform_indices = #map1}, {transform_indices = #map1}, {transform_indices = #map1}, {transform_indices = #map1}, {transform_indices = #map1}]} {
    %mul3A = arith.constant 2 : i32
    %mul3A_0 = arith.muli %arg1, %mul3A : i32
    %add3A = arith.addi %mul3A_0, %arg0 : i32
    %mul3A_1 = arith.constant 3136 : i32
    %mul3A_2 = arith.muli %add3A, %mul3A_1 : i32
    %min3A = arith.constant 96864 : i32
    %min3A_3 = arith.minsi %mul3A_2, %min3A : i32
    tpu.enqueue_dma source(%arg3 : memref<512xi32, #tpu.memory_space<hbm>>) target(%arg14 : memref<512xi32, #tpu.memory_space<vmem>>) target_semaphore(%arg23 : memref<!tpu.dma_semaphore, #tpu.memory_space<semaphore_mem>>)
    %dma_start3A = tpu.memref_slice %arg4[%min3A_3] : memref<100000xi32, #tpu.memory_space<hbm>> -> memref<3136xi32, #tpu.memory_space<hbm>>
    %dma_start3A_4 = tpu.memref_slice %arg4[%min3A_3] : memref<100000xi32, #tpu.memory_space<hbm>> -> memref<3136xi32, #tpu.memory_space<hbm>>
    tpu.enqueue_dma source(%dma_start3A_4 : memref<3136xi32, #tpu.memory_space<hbm>>) target(%arg13 : memref<3136xi32, #tpu.memory_space<vmem>>) target_semaphore(%arg23 : memref<!tpu.dma_semaphore, #tpu.memory_space<semaphore_mem>>)
    %add3A_5 = arith.constant 0 : i32
    %add3A_6 = arith.addi %min3A_3, %add3A_5 : i32
    %dma_start3A_7 = arith.constant 0 : i32
    %dma_start3A_8 = tpu.memref_slice %arg2[%add3A_6, %dma_start3A_7] : memref<100000x256xf32, #tpu.memory_space<hbm>> -> memref<112x128xf32, #tpu.memory_space<hbm>>
    %dma_start3A_9 = arith.constant 0 : i32
    %dma_start3A_10 = tpu.memref_slice %arg2[%add3A_6, %dma_start3A_9] : memref<100000x256xf32, #tpu.memory_space<hbm>> -> memref<112x128xf32, #tpu.memory_space<hbm>>
    tpu.enqueue_dma source(%dma_start3A_10 : memref<112x128xf32, #tpu.memory_space<hbm>>) target(%arg9 : memref<112x128xf32, #tpu.memory_space<vmem>>) target_semaphore(%arg19 : memref<!tpu.dma_semaphore, #tpu.memory_space<semaphore_mem>>)
    %add3A_11 = arith.constant 112 : i32
    %add3A_12 = arith.addi %min3A_3, %add3A_11 : i32
    %dma_start3A_13 = arith.constant 0 : i32
    %dma_start3A_14 = tpu.memref_slice %arg2[%add3A_12, %dma_start3A_13] : memref<100000x256xf32, #tpu.memory_space<hbm>> -> memref<112x128xf32, #tpu.memory_space<hbm>>
    %dma_start3A_15 = arith.constant 0 : i32
    %dma_start3A_16 = tpu.memref_slice %arg2[%add3A_12, %dma_start3A_15] : memref<100000x256xf32, #tpu.memory_space<hbm>> -> memref<112x128xf32, #tpu.memory_space<hbm>>
    tpu.enqueue_dma source(%dma_start3A_16 : memref<112x128xf32, #tpu.memory_space<hbm>>) target(%arg10 : memref<112x128xf32, #tpu.memory_space<vmem>>) target_semaphore(%arg20 : memref<!tpu.dma_semaphore, #tpu.memory_space<semaphore_mem>>)
    %add3A_17 = arith.constant 224 : i32
    %add3A_18 = arith.addi %min3A_3, %add3A_17 : i32
    %dma_start3A_19 = arith.constant 0 : i32
    %dma_start3A_20 = tpu.memref_slice %arg2[%add3A_18, %dma_start3A_19] : memref<100000x256xf32, #tpu.memory_space<hbm>> -> memref<112x128xf32, #tpu.memory_space<hbm>>
    %dma_start3A_21 = arith.constant 0 : i32
    %dma_start3A_22 = tpu.memref_slice %arg2[%add3A_18, %dma_start3A_21] : memref<100000x256xf32, #tpu.memory_space<hbm>> -> memref<112x128xf32, #tpu.memory_space<hbm>>
    tpu.enqueue_dma source(%dma_start3A_22 : memref<112x128xf32, #tpu.memory_space<hbm>>) target(%arg11 : memref<112x128xf32, #tpu.memory_space<vmem>>) target_semaphore(%arg21 : memref<!tpu.dma_semaphore, #tpu.memory_space<semaphore_mem>>)
    tpu.wait_dma2 semaphore(%arg23 : memref<!tpu.dma_semaphore, #tpu.memory_space<semaphore_mem>>) src(%arg3 : memref<512xi32, #tpu.memory_space<hbm>>) dst(%arg14 : memref<512xi32, #tpu.memory_space<vmem>>)
    %dma_wait3A = tpu.memref_slice %arg4[%min3A_3] : memref<100000xi32, #tpu.memory_space<hbm>> -> memref<3136xi32, #tpu.memory_space<hbm>>
    %dma_wait3A_23 = tpu.memref_slice %arg4[%min3A_3] : memref<100000xi32, #tpu.memory_space<hbm>> -> memref<3136xi32, #tpu.memory_space<hbm>>
    tpu.wait_dma2 semaphore(%arg23 : memref<!tpu.dma_semaphore, #tpu.memory_space<semaphore_mem>>) src(%dma_wait3A_23 : memref<3136xi32, #tpu.memory_space<hbm>>) dst(%arg13 : memref<3136xi32, #tpu.memory_space<vmem>>)
    %iota3A = tpu.iota {dimensions = array<i32: 0>} : vector<16xi32>
    %broadcast_in_dim3A = arith.constant 2 : i32
    %broadcast_in_dim3A_24 = vector.broadcast %broadcast_in_dim3A : i32 to vector<16xi32>
    %broadcast_in_dim3A_25 = arith.constant 3 : i32
    %broadcast_in_dim3A_26 = vector.broadcast %broadcast_in_dim3A_25 : i32 to vector<16xi32>
    %broadcast_in_dim3A_27 = arith.constant 4 : i32
    %broadcast_in_dim3A_28 = vector.broadcast %broadcast_in_dim3A_27 : i32 to vector<16xi32>
    %scan3A = arith.constant 0 : i32
    %scan3A_29 = arith.constant 0 : i32
    %scan3A_30 = arith.constant 7 : i32
    %scan3A_31 = arith.addi %scan3A_29, %scan3A_30 : i32
    %scan3A_32 = arith.constant 1 : i32
    scf.for %scan3A_50 = %scan3A_29 to %scan3A_31 step %scan3A_32  : i32 {
      %mul3A_51 = arith.constant 4 : i32
      %mul3A_52 = arith.muli %scan3A_50, %mul3A_51 : i32
      %add3A_53 = arith.constant 0 : i32
      %add3A_54 = arith.addi %mul3A_52, %add3A_53 : i32
      %add3A_55 = arith.constant 4 : i32
      %add3A_56 = arith.addi %add3A_54, %add3A_55 : i32
      %sub3A = arith.constant 1 : i32
      %sub3A_57 = arith.subi %add3A_56, %sub3A : i32
      %lt3A = arith.constant 28 : i32
      %lt3A_58 = arith.cmpi slt, %sub3A_57, %lt3A : i32
      %convert_element_type3A = arith.extui %lt3A_58 : i1 to i32
      %cond3A = arith.constant 0 : i32
      %cond3A_59 = arith.cmpi ne, %convert_element_type3A, %cond3A : i32
      scf.if %cond3A_59 {
        %mul3A_145 = arith.constant 112 : i32
        %mul3A_146 = arith.muli %sub3A_57, %mul3A_145 : i32
        %add3A_147 = arith.addi %min3A_3, %mul3A_146 : i32
        %dma_start3A_148 = arith.constant 0 : i32
        %dma_start3A_149 = tpu.memref_slice %arg2[%add3A_147, %dma_start3A_148] : memref<100000x256xf32, #tpu.memory_space<hbm>> -> memref<112x128xf32, #tpu.memory_space<hbm>>
        %dma_start3A_150 = arith.constant 0 : i32
        %dma_start3A_151 = tpu.memref_slice %arg2[%add3A_147, %dma_start3A_150] : memref<100000x256xf32, #tpu.memory_space<hbm>> -> memref<112x128xf32, #tpu.memory_space<hbm>>
        tpu.enqueue_dma source(%dma_start3A_151 : memref<112x128xf32, #tpu.memory_space<hbm>>) target(%arg12 : memref<112x128xf32, #tpu.memory_space<vmem>>) target_semaphore(%arg22 : memref<!tpu.dma_semaphore, #tpu.memory_space<semaphore_mem>>)
      } else {
      }
      %mul3A_60 = arith.constant 112 : i32
      %mul3A_61 = arith.muli %add3A_54, %mul3A_60 : i32
      %add3A_62 = arith.addi %min3A_3, %mul3A_61 : i32
      %dma_wait3A_63 = arith.constant 0 : i32
      %dma_wait3A_64 = tpu.memref_slice %arg2[%add3A_62, %dma_wait3A_63] : memref<100000x256xf32, #tpu.memory_space<hbm>> -> memref<112x128xf32, #tpu.memory_space<hbm>>
      %dma_wait3A_65 = arith.constant 0 : i32
      %dma_wait3A_66 = tpu.memref_slice %arg2[%add3A_62, %dma_wait3A_65] : memref<100000x256xf32, #tpu.memory_space<hbm>> -> memref<112x128xf32, #tpu.memory_space<hbm>>
      tpu.wait_dma2 semaphore(%arg19 : memref<!tpu.dma_semaphore, #tpu.memory_space<semaphore_mem>>) src(%dma_wait3A_66 : memref<112x128xf32, #tpu.memory_space<hbm>>) dst(%arg9 : memref<112x128xf32, #tpu.memory_space<vmem>>)
      %scan3A_67 = arith.constant 0 : i32
      %scan3A_68 = arith.constant 0 : i32
      %scan3A_69 = arith.constant 7 : i32
      %scan3A_70 = arith.addi %scan3A_68, %scan3A_69 : i32
      %scan3A_71 = arith.constant 1 : i32
      scf.for %scan3A_145 = %scan3A_68 to %scan3A_70 step %scan3A_71  : i32 {
        %mul3A_146 = arith.constant 16 : i32
        %mul3A_147 = arith.muli %scan3A_145, %mul3A_146 : i32
        %add3A_148 = vector.broadcast %mul3A_147 : i32 to vector<16xi32>
        %add3A_149 = arith.addi %iota3A, %add3A_148 : vector<16xi32>
        %mul3A_150 = arith.constant 112 : i32
        %mul3A_151 = arith.muli %add3A_54, %mul3A_150 : i32
        %mul3A_152 = arith.constant 16 : i32
        %mul3A_153 = arith.muli %scan3A_145, %mul3A_152 : i32
        %add3A_154 = arith.addi %mul3A_151, %mul3A_153 : i32
        %get3A = arith.index_cast %add3A_154 : i32 to index
        %get3A_155 = tpu.vector_load %arg13[%get3A] {strides = array<i32>} : memref<3136xi32, #tpu.memory_space<vmem>>, vector<16xi32>,
        %gather3A = tpu.vector_load_idx %arg14[%get3A_155] : memref<512xi32, #tpu.memory_space<vmem>>[vector<16xi32>], vector<16xi32>,
        %gather3A_156 = tpu.vector_load_idx %arg9[%add3A_149, %gather3A] : memref<112x128xf32, #tpu.memory_space<vmem>>[vector<16xi32>, vector<16xi32>], vector<16xf32>,
        %gather3A_157 = tpu.vector_load_idx %arg9[%add3A_149, %broadcast_in_dim3A_28] : memref<112x128xf32, #tpu.memory_space<vmem>>[vector<16xi32>, vector<16xi32>], vector<16xf32>,
        %gather3A_158 = tpu.vector_load_idx %arg9[%add3A_149, %broadcast_in_dim3A_24] : memref<112x128xf32, #tpu.memory_space<vmem>>[vector<16xi32>, vector<16xi32>], vector<16xf32>,
        %gather3A_159 = tpu.vector_load_idx %arg9[%add3A_149, %broadcast_in_dim3A_26] : memref<112x128xf32, #tpu.memory_space<vmem>>[vector<16xi32>, vector<16xi32>], vector<16xf32>,
        %mul3A_160 = arith.constant 112 : i32
        %mul3A_161 = arith.muli %add3A_54, %mul3A_160 : i32
        %mul3A_162 = arith.constant 16 : i32
        %mul3A_163 = arith.muli %scan3A_145, %mul3A_162 : i32
        %add3A_164 = arith.addi %mul3A_161, %mul3A_163 : i32
        %swap3A = arith.index_cast %add3A_164 : i32 to index
        %swap3A_165 = tpu.vector_load %arg15[%swap3A] {strides = array<i32>} : memref<3136xf32, #tpu.memory_space<vmem>>, vector<16xf32>,
        tpu.vector_store %arg15[%swap3A], %gather3A_156 {strides = array<i32>} : memref<3136xf32, #tpu.memory_space<vmem>>, vector<16xf32>,
        %swap3A_166 = arith.index_cast %add3A_164 : i32 to index
        %swap3A_167 = tpu.vector_load %arg16[%swap3A_166] {strides = array<i32>} : memref<3136xf32, #tpu.memory_space<vmem>>, vector<16xf32>,
        tpu.vector_store %arg16[%swap3A_166], %gather3A_157 {strides = array<i32>} : memref<3136xf32, #tpu.memory_space<vmem>>, vector<16xf32>,
        %swap3A_168 = arith.index_cast %add3A_164 : i32 to index
        %swap3A_169 = tpu.vector_load %arg17[%swap3A_168] {strides = array<i32>} : memref<3136xf32, #tpu.memory_space<vmem>>, vector<16xf32>,
        tpu.vector_store %arg17[%swap3A_168], %gather3A_158 {strides = array<i32>} : memref<3136xf32, #tpu.memory_space<vmem>>, vector<16xf32>,
        %swap3A_170 = arith.index_cast %add3A_164 : i32 to index
        %swap3A_171 = tpu.vector_load %arg18[%swap3A_170] {strides = array<i32>} : memref<3136xf32, #tpu.memory_space<vmem>>, vector<16xf32>,
        tpu.vector_store %arg18[%swap3A_170], %gather3A_159 {strides = array<i32>} : memref<3136xf32, #tpu.memory_space<vmem>>, vector<16xf32>,
      }
      %scan3A_72 = arith.constant 7 : i32
      %add3A_73 = arith.constant 1 : i32
      %add3A_74 = arith.addi %mul3A_52, %add3A_73 : i32
      %add3A_75 = arith.constant 4 : i32
      %add3A_76 = arith.addi %add3A_74, %add3A_75 : i32
      %sub3A_77 = arith.constant 1 : i32
      %sub3A_78 = arith.subi %add3A_76, %sub3A_77 : i32
      %lt3A_79 = arith.constant 28 : i32
      %lt3A_80 = arith.cmpi slt, %sub3A_78, %lt3A_79 : i32
      %convert_element_type3A_81 = arith.extui %lt3A_80 : i1 to i32
      %cond3A_82 = arith.constant 0 : i32
      %cond3A_83 = arith.cmpi ne, %convert_element_type3A_81, %cond3A_82 : i32
      scf.if %cond3A_83 {
        %mul3A_145 = arith.constant 112 : i32
        %mul3A_146 = arith.muli %sub3A_78, %mul3A_145 : i32
        %add3A_147 = arith.addi %min3A_3, %mul3A_146 : i32
        %dma_start3A_148 = arith.constant 0 : i32
        %dma_start3A_149 = tpu.memref_slice %arg2[%add3A_147, %dma_start3A_148] : memref<100000x256xf32, #tpu.memory_space<hbm>> -> memref<112x128xf32, #tpu.memory_space<hbm>>
        %dma_start3A_150 = arith.constant 0 : i32
        %dma_start3A_151 = tpu.memref_slice %arg2[%add3A_147, %dma_start3A_150] : memref<100000x256xf32, #tpu.memory_space<hbm>> -> memref<112x128xf32, #tpu.memory_space<hbm>>
        tpu.enqueue_dma source(%dma_start3A_151 : memref<112x128xf32, #tpu.memory_space<hbm>>) target(%arg9 : memref<112x128xf32, #tpu.memory_space<vmem>>) target_semaphore(%arg19 : memref<!tpu.dma_semaphore, #tpu.memory_space<semaphore_mem>>)
      } else {
      }
      %mul3A_84 = arith.constant 112 : i32
      %mul3A_85 = arith.muli %add3A_74, %mul3A_84 : i32
      %add3A_86 = arith.addi %min3A_3, %mul3A_85 : i32
      %dma_wait3A_87 = arith.constant 0 : i32
      %dma_wait3A_88 = tpu.memref_slice %arg2[%add3A_86, %dma_wait3A_87] : memref<100000x256xf32, #tpu.memory_space<hbm>> -> memref<112x128xf32, #tpu.memory_space<hbm>>
      %dma_wait3A_89 = arith.constant 0 : i32
      %dma_wait3A_90 = tpu.memref_slice %arg2[%add3A_86, %dma_wait3A_89] : memref<100000x256xf32, #tpu.memory_space<hbm>> -> memref<112x128xf32, #tpu.memory_space<hbm>>
      tpu.wait_dma2 semaphore(%arg20 : memref<!tpu.dma_semaphore, #tpu.memory_space<semaphore_mem>>) src(%dma_wait3A_90 : memref<112x128xf32, #tpu.memory_space<hbm>>) dst(%arg10 : memref<112x128xf32, #tpu.memory_space<vmem>>)
      %scan3A_91 = arith.constant 0 : i32
      %scan3A_92 = arith.constant 0 : i32
      %scan3A_93 = arith.constant 7 : i32
      %scan3A_94 = arith.addi %scan3A_92, %scan3A_93 : i32
      %scan3A_95 = arith.constant 1 : i32
      scf.for %scan3A_145 = %scan3A_92 to %scan3A_94 step %scan3A_95  : i32 {
        %mul3A_146 = arith.constant 16 : i32
        %mul3A_147 = arith.muli %scan3A_145, %mul3A_146 : i32
        %add3A_148 = vector.broadcast %mul3A_147 : i32 to vector<16xi32>
        %add3A_149 = arith.addi %iota3A, %add3A_148 : vector<16xi32>
        %mul3A_150 = arith.constant 112 : i32
        %mul3A_151 = arith.muli %add3A_74, %mul3A_150 : i32
        %mul3A_152 = arith.constant 16 : i32
        %mul3A_153 = arith.muli %scan3A_145, %mul3A_152 : i32
        %add3A_154 = arith.addi %mul3A_151, %mul3A_153 : i32
        %get3A = arith.index_cast %add3A_154 : i32 to index
        %get3A_155 = tpu.vector_load %arg13[%get3A] {strides = array<i32>} : memref<3136xi32, #tpu.memory_space<vmem>>, vector<16xi32>,
        %gather3A = tpu.vector_load_idx %arg14[%get3A_155] : memref<512xi32, #tpu.memory_space<vmem>>[vector<16xi32>], vector<16xi32>,
        %gather3A_156 = tpu.vector_load_idx %arg10[%add3A_149, %gather3A] : memref<112x128xf32, #tpu.memory_space<vmem>>[vector<16xi32>, vector<16xi32>], vector<16xf32>,
        %gather3A_157 = tpu.vector_load_idx %arg10[%add3A_149, %broadcast_in_dim3A_28] : memref<112x128xf32, #tpu.memory_space<vmem>>[vector<16xi32>, vector<16xi32>], vector<16xf32>,
        %gather3A_158 = tpu.vector_load_idx %arg10[%add3A_149, %broadcast_in_dim3A_24] : memref<112x128xf32, #tpu.memory_space<vmem>>[vector<16xi32>, vector<16xi32>], vector<16xf32>,
        %gather3A_159 = tpu.vector_load_idx %arg10[%add3A_149, %broadcast_in_dim3A_26] : memref<112x128xf32, #tpu.memory_space<vmem>>[vector<16xi32>, vector<16xi32>], vector<16xf32>,
        %mul3A_160 = arith.constant 112 : i32
        %mul3A_161 = arith.muli %add3A_74, %mul3A_160 : i32
        %mul3A_162 = arith.constant 16 : i32
        %mul3A_163 = arith.muli %scan3A_145, %mul3A_162 : i32
        %add3A_164 = arith.addi %mul3A_161, %mul3A_163 : i32
        %swap3A = arith.index_cast %add3A_164 : i32 to index
        %swap3A_165 = tpu.vector_load %arg15[%swap3A] {strides = array<i32>} : memref<3136xf32, #tpu.memory_space<vmem>>, vector<16xf32>,
        tpu.vector_store %arg15[%swap3A], %gather3A_156 {strides = array<i32>} : memref<3136xf32, #tpu.memory_space<vmem>>, vector<16xf32>,
        %swap3A_166 = arith.index_cast %add3A_164 : i32 to index
        %swap3A_167 = tpu.vector_load %arg16[%swap3A_166] {strides = array<i32>} : memref<3136xf32, #tpu.memory_space<vmem>>, vector<16xf32>,
        tpu.vector_store %arg16[%swap3A_166], %gather3A_157 {strides = array<i32>} : memref<3136xf32, #tpu.memory_space<vmem>>, vector<16xf32>,
        %swap3A_168 = arith.index_cast %add3A_164 : i32 to index
        %swap3A_169 = tpu.vector_load %arg17[%swap3A_168] {strides = array<i32>} : memref<3136xf32, #tpu.memory_space<vmem>>, vector<16xf32>,
        tpu.vector_store %arg17[%swap3A_168], %gather3A_158 {strides = array<i32>} : memref<3136xf32, #tpu.memory_space<vmem>>, vector<16xf32>,
        %swap3A_170 = arith.index_cast %add3A_164 : i32 to index
        %swap3A_171 = tpu.vector_load %arg18[%swap3A_170] {strides = array<i32>} : memref<3136xf32, #tpu.memory_space<vmem>>, vector<16xf32>,
        tpu.vector_store %arg18[%swap3A_170], %gather3A_159 {strides = array<i32>} : memref<3136xf32, #tpu.memory_space<vmem>>, vector<16xf32>,
      }
      %scan3A_96 = arith.constant 7 : i32
      %add3A_97 = arith.constant 2 : i32
      %add3A_98 = arith.addi %mul3A_52, %add3A_97 : i32
      %add3A_99 = arith.constant 4 : i32
      %add3A_100 = arith.addi %add3A_98, %add3A_99 : i32
      %sub3A_101 = arith.constant 1 : i32
      %sub3A_102 = arith.subi %add3A_100, %sub3A_101 : i32
      %lt3A_103 = arith.constant 28 : i32
      %lt3A_104 = arith.cmpi slt, %sub3A_102, %lt3A_103 : i32
      %convert_element_type3A_105 = arith.extui %lt3A_104 : i1 to i32
      %cond3A_106 = arith.constant 0 : i32
      %cond3A_107 = arith.cmpi ne, %convert_element_type3A_105, %cond3A_106 : i32
      scf.if %cond3A_107 {
        %mul3A_145 = arith.constant 112 : i32
        %mul3A_146 = arith.muli %sub3A_102, %mul3A_145 : i32
        %add3A_147 = arith.addi %min3A_3, %mul3A_146 : i32
        %dma_start3A_148 = arith.constant 0 : i32
        %dma_start3A_149 = tpu.memref_slice %arg2[%add3A_147, %dma_start3A_148] : memref<100000x256xf32, #tpu.memory_space<hbm>> -> memref<112x128xf32, #tpu.memory_space<hbm>>
        %dma_start3A_150 = arith.constant 0 : i32
        %dma_start3A_151 = tpu.memref_slice %arg2[%add3A_147, %dma_start3A_150] : memref<100000x256xf32, #tpu.memory_space<hbm>> -> memref<112x128xf32, #tpu.memory_space<hbm>>
        tpu.enqueue_dma source(%dma_start3A_151 : memref<112x128xf32, #tpu.memory_space<hbm>>) target(%arg10 : memref<112x128xf32, #tpu.memory_space<vmem>>) target_semaphore(%arg20 : memref<!tpu.dma_semaphore, #tpu.memory_space<semaphore_mem>>)
      } else {
      }
      %mul3A_108 = arith.constant 112 : i32
      %mul3A_109 = arith.muli %add3A_98, %mul3A_108 : i32
      %add3A_110 = arith.addi %min3A_3, %mul3A_109 : i32
      %dma_wait3A_111 = arith.constant 0 : i32
      %dma_wait3A_112 = tpu.memref_slice %arg2[%add3A_110, %dma_wait3A_111] : memref<100000x256xf32, #tpu.memory_space<hbm>> -> memref<112x128xf32, #tpu.memory_space<hbm>>
      %dma_wait3A_113 = arith.constant 0 : i32
      %dma_wait3A_114 = tpu.memref_slice %arg2[%add3A_110, %dma_wait3A_113] : memref<100000x256xf32, #tpu.memory_space<hbm>> -> memref<112x128xf32, #tpu.memory_space<hbm>>
      tpu.wait_dma2 semaphore(%arg21 : memref<!tpu.dma_semaphore, #tpu.memory_space<semaphore_mem>>) src(%dma_wait3A_114 : memref<112x128xf32, #tpu.memory_space<hbm>>) dst(%arg11 : memref<112x128xf32, #tpu.memory_space<vmem>>)
      %scan3A_115 = arith.constant 0 : i32
      %scan3A_116 = arith.constant 0 : i32
      %scan3A_117 = arith.constant 7 : i32
      %scan3A_118 = arith.addi %scan3A_116, %scan3A_117 : i32
      %scan3A_119 = arith.constant 1 : i32
      scf.for %scan3A_145 = %scan3A_116 to %scan3A_118 step %scan3A_119  : i32 {
        %mul3A_146 = arith.constant 16 : i32
        %mul3A_147 = arith.muli %scan3A_145, %mul3A_146 : i32
        %add3A_148 = vector.broadcast %mul3A_147 : i32 to vector<16xi32>
        %add3A_149 = arith.addi %iota3A, %add3A_148 : vector<16xi32>
        %mul3A_150 = arith.constant 112 : i32
        %mul3A_151 = arith.muli %add3A_98, %mul3A_150 : i32
        %mul3A_152 = arith.constant 16 : i32
        %mul3A_153 = arith.muli %scan3A_145, %mul3A_152 : i32
        %add3A_154 = arith.addi %mul3A_151, %mul3A_153 : i32
        %get3A = arith.index_cast %add3A_154 : i32 to index
        %get3A_155 = tpu.vector_load %arg13[%get3A] {strides = array<i32>} : memref<3136xi32, #tpu.memory_space<vmem>>, vector<16xi32>,
        %gather3A = tpu.vector_load_idx %arg14[%get3A_155] : memref<512xi32, #tpu.memory_space<vmem>>[vector<16xi32>], vector<16xi32>,
        %gather3A_156 = tpu.vector_load_idx %arg11[%add3A_149, %gather3A] : memref<112x128xf32, #tpu.memory_space<vmem>>[vector<16xi32>, vector<16xi32>], vector<16xf32>,
        %gather3A_157 = tpu.vector_load_idx %arg11[%add3A_149, %broadcast_in_dim3A_28] : memref<112x128xf32, #tpu.memory_space<vmem>>[vector<16xi32>, vector<16xi32>], vector<16xf32>,
        %gather3A_158 = tpu.vector_load_idx %arg11[%add3A_149, %broadcast_in_dim3A_24] : memref<112x128xf32, #tpu.memory_space<vmem>>[vector<16xi32>, vector<16xi32>], vector<16xf32>,
        %gather3A_159 = tpu.vector_load_idx %arg11[%add3A_149, %broadcast_in_dim3A_26] : memref<112x128xf32, #tpu.memory_space<vmem>>[vector<16xi32>, vector<16xi32>], vector<16xf32>,
        %mul3A_160 = arith.constant 112 : i32
        %mul3A_161 = arith.muli %add3A_98, %mul3A_160 : i32
        %mul3A_162 = arith.constant 16 : i32
        %mul3A_163 = arith.muli %scan3A_145, %mul3A_162 : i32
        %add3A_164 = arith.addi %mul3A_161, %mul3A_163 : i32
        %swap3A = arith.index_cast %add3A_164 : i32 to index
        %swap3A_165 = tpu.vector_load %arg15[%swap3A] {strides = array<i32>} : memref<3136xf32, #tpu.memory_space<vmem>>, vector<16xf32>,
        tpu.vector_store %arg15[%swap3A], %gather3A_156 {strides = array<i32>} : memref<3136xf32, #tpu.memory_space<vmem>>, vector<16xf32>,
        %swap3A_166 = arith.index_cast %add3A_164 : i32 to index
        %swap3A_167 = tpu.vector_load %arg16[%swap3A_166] {strides = array<i32>} : memref<3136xf32, #tpu.memory_space<vmem>>, vector<16xf32>,
        tpu.vector_store %arg16[%swap3A_166], %gather3A_157 {strides = array<i32>} : memref<3136xf32, #tpu.memory_space<vmem>>, vector<16xf32>,
        %swap3A_168 = arith.index_cast %add3A_164 : i32 to index
        %swap3A_169 = tpu.vector_load %arg17[%swap3A_168] {strides = array<i32>} : memref<3136xf32, #tpu.memory_space<vmem>>, vector<16xf32>,
        tpu.vector_store %arg17[%swap3A_168], %gather3A_158 {strides = array<i32>} : memref<3136xf32, #tpu.memory_space<vmem>>, vector<16xf32>,
        %swap3A_170 = arith.index_cast %add3A_164 : i32 to index
        %swap3A_171 = tpu.vector_load %arg18[%swap3A_170] {strides = array<i32>} : memref<3136xf32, #tpu.memory_space<vmem>>, vector<16xf32>,
        tpu.vector_store %arg18[%swap3A_170], %gather3A_159 {strides = array<i32>} : memref<3136xf32, #tpu.memory_space<vmem>>, vector<16xf32>,
      }
      %scan3A_120 = arith.constant 7 : i32
      %add3A_121 = arith.constant 3 : i32
      %add3A_122 = arith.addi %mul3A_52, %add3A_121 : i32
      %add3A_123 = arith.constant 4 : i32
      %add3A_124 = arith.addi %add3A_122, %add3A_123 : i32
      %sub3A_125 = arith.constant 1 : i32
      %sub3A_126 = arith.subi %add3A_124, %sub3A_125 : i32
      %lt3A_127 = arith.constant 28 : i32
      %lt3A_128 = arith.cmpi slt, %sub3A_126, %lt3A_127 : i32
      %convert_element_type3A_129 = arith.extui %lt3A_128 : i1 to i32
      %cond3A_130 = arith.constant 0 : i32
      %cond3A_131 = arith.cmpi ne, %convert_element_type3A_129, %cond3A_130 : i32
      scf.if %cond3A_131 {
        %mul3A_145 = arith.constant 112 : i32
        %mul3A_146 = arith.muli %sub3A_126, %mul3A_145 : i32
        %add3A_147 = arith.addi %min3A_3, %mul3A_146 : i32
        %dma_start3A_148 = arith.constant 0 : i32
        %dma_start3A_149 = tpu.memref_slice %arg2[%add3A_147, %dma_start3A_148] : memref<100000x256xf32, #tpu.memory_space<hbm>> -> memref<112x128xf32, #tpu.memory_space<hbm>>
        %dma_start3A_150 = arith.constant 0 : i32
        %dma_start3A_151 = tpu.memref_slice %arg2[%add3A_147, %dma_start3A_150] : memref<100000x256xf32, #tpu.memory_space<hbm>> -> memref<112x128xf32, #tpu.memory_space<hbm>>
        tpu.enqueue_dma source(%dma_start3A_151 : memref<112x128xf32, #tpu.memory_space<hbm>>) target(%arg11 : memref<112x128xf32, #tpu.memory_space<vmem>>) target_semaphore(%arg21 : memref<!tpu.dma_semaphore, #tpu.memory_space<semaphore_mem>>)
      } else {
      }
      %mul3A_132 = arith.constant 112 : i32
      %mul3A_133 = arith.muli %add3A_122, %mul3A_132 : i32
      %add3A_134 = arith.addi %min3A_3, %mul3A_133 : i32
      %dma_wait3A_135 = arith.constant 0 : i32
      %dma_wait3A_136 = tpu.memref_slice %arg2[%add3A_134, %dma_wait3A_135] : memref<100000x256xf32, #tpu.memory_space<hbm>> -> memref<112x128xf32, #tpu.memory_space<hbm>>
      %dma_wait3A_137 = arith.constant 0 : i32
      %dma_wait3A_138 = tpu.memref_slice %arg2[%add3A_134, %dma_wait3A_137] : memref<100000x256xf32, #tpu.memory_space<hbm>> -> memref<112x128xf32, #tpu.memory_space<hbm>>
      tpu.wait_dma2 semaphore(%arg22 : memref<!tpu.dma_semaphore, #tpu.memory_space<semaphore_mem>>) src(%dma_wait3A_138 : memref<112x128xf32, #tpu.memory_space<hbm>>) dst(%arg12 : memref<112x128xf32, #tpu.memory_space<vmem>>)
      %scan3A_139 = arith.constant 0 : i32
      %scan3A_140 = arith.constant 0 : i32
      %scan3A_141 = arith.constant 7 : i32
      %scan3A_142 = arith.addi %scan3A_140, %scan3A_141 : i32
      %scan3A_143 = arith.constant 1 : i32
      scf.for %scan3A_145 = %scan3A_140 to %scan3A_142 step %scan3A_143  : i32 {
        %mul3A_146 = arith.constant 16 : i32
        %mul3A_147 = arith.muli %scan3A_145, %mul3A_146 : i32
        %add3A_148 = vector.broadcast %mul3A_147 : i32 to vector<16xi32>
        %add3A_149 = arith.addi %iota3A, %add3A_148 : vector<16xi32>
        %mul3A_150 = arith.constant 112 : i32
        %mul3A_151 = arith.muli %add3A_122, %mul3A_150 : i32
        %mul3A_152 = arith.constant 16 : i32
        %mul3A_153 = arith.muli %scan3A_145, %mul3A_152 : i32
        %add3A_154 = arith.addi %mul3A_151, %mul3A_153 : i32
        %get3A = arith.index_cast %add3A_154 : i32 to index
        %get3A_155 = tpu.vector_load %arg13[%get3A] {strides = array<i32>} : memref<3136xi32, #tpu.memory_space<vmem>>, vector<16xi32>,
        %gather3A = tpu.vector_load_idx %arg14[%get3A_155] : memref<512xi32, #tpu.memory_space<vmem>>[vector<16xi32>], vector<16xi32>,
        %gather3A_156 = tpu.vector_load_idx %arg12[%add3A_149, %gather3A] : memref<112x128xf32, #tpu.memory_space<vmem>>[vector<16xi32>, vector<16xi32>], vector<16xf32>,
        %gather3A_157 = tpu.vector_load_idx %arg12[%add3A_149, %broadcast_in_dim3A_28] : memref<112x128xf32, #tpu.memory_space<vmem>>[vector<16xi32>, vector<16xi32>], vector<16xf32>,
        %gather3A_158 = tpu.vector_load_idx %arg12[%add3A_149, %broadcast_in_dim3A_24] : memref<112x128xf32, #tpu.memory_space<vmem>>[vector<16xi32>, vector<16xi32>], vector<16xf32>,
        %gather3A_159 = tpu.vector_load_idx %arg12[%add3A_149, %broadcast_in_dim3A_26] : memref<112x128xf32, #tpu.memory_space<vmem>>[vector<16xi32>, vector<16xi32>], vector<16xf32>,
        %mul3A_160 = arith.constant 112 : i32
        %mul3A_161 = arith.muli %add3A_122, %mul3A_160 : i32
        %mul3A_162 = arith.constant 16 : i32
        %mul3A_163 = arith.muli %scan3A_145, %mul3A_162 : i32
        %add3A_164 = arith.addi %mul3A_161, %mul3A_163 : i32
        %swap3A = arith.index_cast %add3A_164 : i32 to index
        %swap3A_165 = tpu.vector_load %arg15[%swap3A] {strides = array<i32>} : memref<3136xf32, #tpu.memory_space<vmem>>, vector<16xf32>,
        tpu.vector_store %arg15[%swap3A], %gather3A_156 {strides = array<i32>} : memref<3136xf32, #tpu.memory_space<vmem>>, vector<16xf32>,
        %swap3A_166 = arith.index_cast %add3A_164 : i32 to index
        %swap3A_167 = tpu.vector_load %arg16[%swap3A_166] {strides = array<i32>} : memref<3136xf32, #tpu.memory_space<vmem>>, vector<16xf32>,
        tpu.vector_store %arg16[%swap3A_166], %gather3A_157 {strides = array<i32>} : memref<3136xf32, #tpu.memory_space<vmem>>, vector<16xf32>,
        %swap3A_168 = arith.index_cast %add3A_164 : i32 to index
        %swap3A_169 = tpu.vector_load %arg17[%swap3A_168] {strides = array<i32>} : memref<3136xf32, #tpu.memory_space<vmem>>, vector<16xf32>,
        tpu.vector_store %arg17[%swap3A_168], %gather3A_158 {strides = array<i32>} : memref<3136xf32, #tpu.memory_space<vmem>>, vector<16xf32>,
        %swap3A_170 = arith.index_cast %add3A_164 : i32 to index
        %swap3A_171 = tpu.vector_load %arg18[%swap3A_170] {strides = array<i32>} : memref<3136xf32, #tpu.memory_space<vmem>>, vector<16xf32>,
        tpu.vector_store %arg18[%swap3A_170], %gather3A_159 {strides = array<i32>} : memref<3136xf32, #tpu.memory_space<vmem>>, vector<16xf32>,
      }
      %scan3A_144 = arith.constant 7 : i32
    }
    %scan3A_33 = arith.constant 7 : i32
    %dma_start3A_34 = tpu.memref_slice %arg5[%min3A_3] : memref<100000xf32, #tpu.memory_space<hbm>> -> memref<3136xf32, #tpu.memory_space<hbm>>
    %dma_start3A_35 = tpu.memref_slice %arg5[%min3A_3] : memref<100000xf32, #tpu.memory_space<hbm>> -> memref<3136xf32, #tpu.memory_space<hbm>>
    tpu.enqueue_dma source(%arg15 : memref<3136xf32, #tpu.memory_space<vmem>>) target(%dma_start3A_35 : memref<3136xf32, #tpu.memory_space<hbm>>) target_semaphore(%arg24 : memref<!tpu.dma_semaphore, #tpu.memory_space<semaphore_mem>>)
    %dma_start3A_36 = tpu.memref_slice %arg6[%min3A_3] : memref<100000xf32, #tpu.memory_space<hbm>> -> memref<3136xf32, #tpu.memory_space<hbm>>
    %dma_start3A_37 = tpu.memref_slice %arg6[%min3A_3] : memref<100000xf32, #tpu.memory_space<hbm>> -> memref<3136xf32, #tpu.memory_space<hbm>>
    tpu.enqueue_dma source(%arg16 : memref<3136xf32, #tpu.memory_space<vmem>>) target(%dma_start3A_37 : memref<3136xf32, #tpu.memory_space<hbm>>) target_semaphore(%arg24 : memref<!tpu.dma_semaphore, #tpu.memory_space<semaphore_mem>>)
    %dma_start3A_38 = tpu.memref_slice %arg7[%min3A_3] : memref<100000xf32, #tpu.memory_space<hbm>> -> memref<3136xf32, #tpu.memory_space<hbm>>
    %dma_start3A_39 = tpu.memref_slice %arg7[%min3A_3] : memref<100000xf32, #tpu.memory_space<hbm>> -> memref<3136xf32, #tpu.memory_space<hbm>>
    tpu.enqueue_dma source(%arg17 : memref<3136xf32, #tpu.memory_space<vmem>>) target(%dma_start3A_39 : memref<3136xf32, #tpu.memory_space<hbm>>) target_semaphore(%arg24 : memref<!tpu.dma_semaphore, #tpu.memory_space<semaphore_mem>>)
    %dma_start3A_40 = tpu.memref_slice %arg8[%min3A_3] : memref<100000xf32, #tpu.memory_space<hbm>> -> memref<3136xf32, #tpu.memory_space<hbm>>
    %dma_start3A_41 = tpu.memref_slice %arg8[%min3A_3] : memref<100000xf32, #tpu.memory_space<hbm>> -> memref<3136xf32, #tpu.memory_space<hbm>>
    tpu.enqueue_dma source(%arg18 : memref<3136xf32, #tpu.memory_space<vmem>>) target(%dma_start3A_41 : memref<3136xf32, #tpu.memory_space<hbm>>) target_semaphore(%arg24 : memref<!tpu.dma_semaphore, #tpu.memory_space<semaphore_mem>>)
    %dma_wait3A_42 = tpu.memref_slice %arg5[%min3A_3] : memref<100000xf32, #tpu.memory_space<hbm>> -> memref<3136xf32, #tpu.memory_space<hbm>>
    %dma_wait3A_43 = tpu.memref_slice %arg5[%min3A_3] : memref<100000xf32, #tpu.memory_space<hbm>> -> memref<3136xf32, #tpu.memory_space<hbm>>
    tpu.wait_dma2 semaphore(%arg24 : memref<!tpu.dma_semaphore, #tpu.memory_space<semaphore_mem>>) src(%arg15 : memref<3136xf32, #tpu.memory_space<vmem>>) dst(%dma_wait3A_43 : memref<3136xf32, #tpu.memory_space<hbm>>)
    %dma_wait3A_44 = tpu.memref_slice %arg6[%min3A_3] : memref<100000xf32, #tpu.memory_space<hbm>> -> memref<3136xf32, #tpu.memory_space<hbm>>
    %dma_wait3A_45 = tpu.memref_slice %arg6[%min3A_3] : memref<100000xf32, #tpu.memory_space<hbm>> -> memref<3136xf32, #tpu.memory_space<hbm>>
    tpu.wait_dma2 semaphore(%arg24 : memref<!tpu.dma_semaphore, #tpu.memory_space<semaphore_mem>>) src(%arg16 : memref<3136xf32, #tpu.memory_space<vmem>>) dst(%dma_wait3A_45 : memref<3136xf32, #tpu.memory_space<hbm>>)
    %dma_wait3A_46 = tpu.memref_slice %arg7[%min3A_3] : memref<100000xf32, #tpu.memory_space<hbm>> -> memref<3136xf32, #tpu.memory_space<hbm>>
    %dma_wait3A_47 = tpu.memref_slice %arg7[%min3A_3] : memref<100000xf32, #tpu.memory_space<hbm>> -> memref<3136xf32, #tpu.memory_space<hbm>>
    tpu.wait_dma2 semaphore(%arg24 : memref<!tpu.dma_semaphore, #tpu.memory_space<semaphore_mem>>) src(%arg17 : memref<3136xf32, #tpu.memory_space<vmem>>) dst(%dma_wait3A_47 : memref<3136xf32, #tpu.memory_space<hbm>>)
    %dma_wait3A_48 = tpu.memref_slice %arg8[%min3A_3] : memref<100000xf32, #tpu.memory_space<hbm>> -> memref<3136xf32, #tpu.memory_space<hbm>>
    %dma_wait3A_49 = tpu.memref_slice %arg8[%min3A_3] : memref<100000xf32, #tpu.memory_space<hbm>> -> memref<3136xf32, #tpu.memory_space<hbm>>
    tpu.wait_dma2 semaphore(%arg24 : memref<!tpu.dma_semaphore, #tpu.memory_space<semaphore_mem>>) src(%arg18 : memref<3136xf32, #tpu.memory_space<vmem>>) dst(%dma_wait3A_49 : memref<3136xf32, #tpu.memory_space<hbm>>)
    return
  }
}

</mosaic_0001>

<sc_bundles>
// kernel: kernel.3.cloned.1.call-start
scs
__scs_entry_jumppad:
0x0: {  	(pc) =	sbr.rel $0x88, $3  }
0x1: {  	(tag) =	ssettag $0x0;
	lr =	simm.s32 $0x1  }
0x2: {  	[smem:$0x3F9E] =	sst lr;
	_ =	strace $0xD0000000  }
0x3: {  	_ = 	snop  }
0x4: {  	_ = 	snop  }
0x5: {  	_ = 	snop  }
0x6: {  	_ = 	snop  }
0x7: {  	_ = 	snop  }
__scs_overlays_trampoline_lowered:
0x8: {  	[smem:$0x3FAD] =	sst s0  }
0x9: {  	[smem:$0x3FAE] =	sst s1  }
0xa: {  	[smem:$0x3FAF] =	sst s2  }
0xb: {  	[smem:$0x3FB0] =	sst s3  }
0xc: {  	[smem:$0x3FB1] =	sst s4  }
0xd: {  	[smem:$0x3FB2] =	sst s5  }
0xe: {  	[smem:$0x3FB3] =	sst s6  }
0xf: {  	[smem:$0x3FB4] =	sst s7  }
0x10: {  	[smem:$0x3FB5] =	sst s8  }
0x11: {  	[smem:$0x3FB6] =	sst s9;
	s0 =	simm.s32 @!p0 $0x0  }
0x12: {  	s1 =	sld [smem:$0x3F9C];
	s0 =	simm.s32 @p0 $0x1  }
0x13: {  	[smem:$0x3FB7] =	sst s0;
	s0 =	simm.s32 @!p1 $0x0  }
0x14: {  	s2 =	sld [smem:$0x3F9B];
	s0 =	simm.s32 @p1 $0x1  }
0x15: {  	[smem:$0x3FB8] =	sst s0;
	s0 =	simm.s32 @!p2 $0x0  }
0x16: {  	s3 =	sld [smem:$0x3FDB];
	s0 =	simm.s32 @p2 $0x1  }
0x17: {  	s4 =	simm.s32 $0x1BF5;
	[smem:$0x3FBA] =	sst s0  }
0x18: {  	s0 =	sld [smem:$0x3F9D];
	_ =	swait.ge [sflag:s4], $0x0  }
0x19: {  	s7 =	sld [smem:$0x3F9E]  }
0x1a: {  	s8 =	sadd.s32 $0xFFFFE003, lr  }
0x1b: {  	s9 =	sadd.s32 $0xFFFFFEF7, lr;
	s5 =	simm.s32 $0xFFFFFFFF;
	p2 =	slt.u32 s8, $0xFFFFF086  }
0x1c: {  	p1 =	slt.u32 s9, $0xF7A;
	s5 =	simm.s32 @!p2 $0x0  }
0x1d: {  	s5 =	simm.s32 @p1 $0x1;
	p0 =	seq.s32 s7, s2  }
0x1e: {  	s7 =	smul.u32 @!p0 $0xF7A, s2;
	p2 =	seq.s32 @!p0 s5, $0x0  }
0x1f: {  	s9 =	smul.u32 $0xF7A, s1;
	s8 =	simm.s32 @!p0 $0x1BF5;
	p2 =	por !p2, p0  }
0x20: {  	[sflag:s8] =	ssyncset.s32 @!p0 $0xFFFFF086;
	s6 =	sadd.s32 @!p0 s3, s7;
	s7 =	simm.s32 @!p0 $0x108  }
0x21: {  	s3 =	sadd.s32 s3, s9;
	s6 =	sadd.s32 @!p0 $0x88, s6;
	s7 =	simm.s32 @p2 $0x1082  }
0x22: {  	[simem:s7], [sflag:s8] =	dma.local @!p0 [hbm:s6], $0xF7A  }
0x23: {  	s9 =	sor.u32 $0xD0000000, s2;
	s6 =	simm.s32 $0x108;
	_ =	swait.ge @!p0 [sflag:s8], $0x0  }
0x24: {  	s3 =	sadd.s32 $0x88, s3;
	s6 =	simm.s32 @!p1 $0x1082;
	[sflag:s4] =	ssyncset.s32 $0xFFFFF086  }
0x25: {  	[simem:s6], [sflag:s4] =	dma.local [hbm:s3], $0xF7A  }
0x26: {  	[smem:$0x3F9E] =	sst s1;
	(tag) =	ssettag s2;
	_ =	strace s9  }
0x27: {  	s1 =	sld [smem:$0x3FAE]  }
0x28: {  	s2 =	sld [smem:$0x3FAF]  }
0x29: {  	s4 =	sld [smem:$0x3FB1]  }
0x2a: {  	p0 =	seq.s32 s5, $0x0;
	s5 =	sld [smem:$0x3FB2]  }
0x2b: {  	s6 =	sld [smem:$0x3FB3]  }
0x2c: {  	s7 =	sld [smem:$0x3FB4]  }
0x2d: {  	s3 =	simm.s32 $0x108;
	s8 =	sld [smem:$0x3FB5]  }
0x2e: {  	s3 =	simm.s32 @!p0 $0x1082;
	s9 =	sld [smem:$0x3FB6]  }
0x2f: {  	lr =	sadd.s32 s0, s3;
	s0 =	sld [smem:$0x3FAD]  }
0x30: {  	s3 =	sld [smem:$0x3FB0]  }
0x31: {  	[smem:$0x3FB9] =	sst s10  }
0x32: {  	s10 =	sld [smem:$0x3FB7];
	_ =	sdelay $0x3  }
0x33: {  	p0 =	seq.s32 s10, $0x1;
	s10 =	sld [smem:$0x3FB9];
	_ =	sdelay $0x3  }
0x34: {  	[smem:$0x3FB9] =	sst s10  }
0x35: {  	s10 =	sld [smem:$0x3FB8];
	_ =	sdelay $0x3  }
0x36: {  	p1 =	seq.s32 s10, $0x1;
	s10 =	sld [smem:$0x3FB9];
	_ =	sdelay $0x3  }
0x37: {  	[smem:$0x3FB9] =	sst s10  }
0x38: {  	s10 =	sld [smem:$0x3FBA]  }
0x39: {  	_ = 	snop;
	(pc) =	sbr.ind lr, $3  }
0x3a: {  	_ = 	snop  }
0x3b: {  	_ = 	snop  }
0x3c: {  	p2 =	seq.s32 s10, $0x1;
	s10 =	sld [smem:$0x3FB9]  }
0x3d: {  	_ =	shalt  }
0x3e: {  	_ =	shalt  }
0x3f: {  	_ =	shalt  }
0x40: {  	_ =	shalt  }
0x41: {  	_ =	shalt  }
0x42: {  	_ =	shalt  }
0x43: {  	_ =	shalt  }
0x44: {  	_ =	shalt  }
0x45: {  	_ =	shalt  }
0x46: {  	_ =	shalt  }
0x47: {  	_ =	shalt  }
0x48: {  	_ =	shalt  }
0x49: {  	_ =	shalt  }
0x4a: {  	_ =	shalt  }
0x4b: {  	_ =	shalt  }
0x4c: {  	_ =	shalt  }
0x4d: {  	_ =	shalt  }
0x4e: {  	_ =	shalt  }
0x4f: {  	_ =	shalt  }
0x50: {  	_ =	shalt  }
0x51: {  	_ =	shalt  }
0x52: {  	_ =	shalt  }
0x53: {  	_ =	shalt  }
0x54: {  	_ =	shalt  }
0x55: {  	_ =	shalt  }
0x56: {  	_ =	shalt  }
0x57: {  	_ =	shalt  }
0x58: {  	_ =	shalt  }
0x59: {  	_ =	shalt  }
0x5a: {  	_ =	shalt  }
0x5b: {  	_ =	shalt  }
0x5c: {  	_ =	shalt  }
0x5d: {  	_ =	shalt  }
0x5e: {  	_ =	shalt  }
0x5f: {  	_ =	shalt  }
0x60: {  	_ =	shalt  }
0x61: {  	_ =	shalt  }
0x62: {  	_ =	shalt  }
0x63: {  	_ =	shalt  }
0x64: {  	_ =	shalt  }
0x65: {  	_ =	shalt  }
0x66: {  	_ =	shalt  }
0x67: {  	_ =	shalt  }
0x68: {  	_ =	shalt  }
0x69: {  	_ =	shalt  }
0x6a: {  	_ =	shalt  }
0x6b: {  	_ =	shalt  }
0x6c: {  	_ =	shalt  }
0x6d: {  	_ =	shalt  }
0x6e: {  	_ =	shalt  }
0x6f: {  	_ =	shalt  }
0x70: {  	_ =	shalt  }
0x71: {  	_ =	shalt  }
0x72: {  	_ =	shalt  }
0x73: {  	_ =	shalt  }
0x74: {  	_ =	shalt  }
0x75: {  	_ =	shalt  }
0x76: {  	_ =	shalt  }
0x77: {  	_ =	shalt  }
0x78: {  	_ =	shalt  }
0x79: {  	_ =	shalt  }
0x7a: {  	_ =	shalt  }
0x7b: {  	_ =	shalt  }
0x7c: {  	_ =	shalt  }
0x7d: {  	_ =	shalt  }
0x7e: {  	_ =	shalt  }
0x7f: {  	_ =	shalt  }
0x80: {  	_ =	shalt  }
0x81: {  	_ =	shalt  }
0x82: {  	_ =	shalt  }
0x83: {  	_ =	shalt  }
0x84: {  	_ =	shalt  }
0x85: {  	_ =	shalt  }
0x86: {  	_ =	shalt  }
0x87: {  	_ =	shalt  }
.Lfunc_end0:
.L_simem_size_0:
called_computation_lowered:
.L_overlay_start_0:
0x88: {  	s2 =	sld [smem:$0x3FD9]  }
0x89: {  	s3 =	sld [smem:$0x3FFE];
	_ =	sdelay $0x1  }
0x8a: {  	s1 =	srdreg.scid  }
0x8b: {  	s0 =	sand.u32 $0x1, s1  }
0x8c: {  	s14 =	sshll.u32 s0, $0xA;
	s2 =	sadd.s32 s3, s2  }
0x8d: {  	s2 =	sadd.s32 s2, s14  }
0x8e: {  	[smem:$0x3FC5] =	sst s2  }
0x8f: {  	_ = 	snop  }
0x90: {  	s2 =	sld [smem:$0x3FD0]  }
0x91: {  	s15 =	sld [smem:$0x3FC9]  }
0x92: {  	s4 =	sld [smem:$0x3FC8]  }
0x93: {  	s6 =	simm.s32 $0xA;
	s7 =	simm.s32 $0x10;
	s5 =	sld [smem:$0x3FC7]  }
0x94: {  	[smem:s7], [sflag:s6] =	dma.local [hbm:s2], $0x1  }
0x95: {  	_ =	swait.eq [sflag:s6], $0x1  }
0x96: {  	[sflag:s6] =	ssyncset.done $0x0  }
0x97: {  	[sflag:s6] =	ssyncadd.s32 $0xFFFFFFFF  }
0x98: {  	s16 =	sld [smem:$0x11];
	(tm) =	ssettm $0x1  }
0x99: {  	s17 =	sld [smem:$0x3FFB];
	_ =	sdelay $0x3  }
0x9a: {  	_ =	strace s17  }
0x9b: {  	s6 =	sld [smem:$0x3FFC];
	_ =	sdelay $0x3  }
0x9c: {  	_ =	strace s6  }
0x9d: {  	s6 =	sld [smem:$0x3FFD];
	_ =	sdelay $0x3  }
0x9e: {  	_ =	strace s6  }
0x9f: {  	_ =	strace $0x8FFFFFFF  }
0xa0: {  	s18 =	sld [smem:$0x3FDB];
	_ =	sdelay $0x1  }
0xa1: {  	s19 =	simm.s32 $_scs_section_size  }
0xa2: {  	s8 =	simm.s32 $_size__tile_overlayer_lowered;
	s9 =	simm.s32 $_tile_overlayer_lowered  }
0xa3: {  	s22 =	simm.s32 $0x1BFF;
	s21 =	sshll.u32 s9, $0x1;
	s6 =	sadd.s32 s19, s18  }
0xa4: {  	s10 =	simm.s32 $0x0;
	s20 =	sshll.u32 s8, $0x1;
	s8 =	sadd.s32 s21, s6  }
0xa5: {  	[timem:s10], [sflag:s22] =	dma.local [hbm:s8], s20  }
0xa6: {  	_ =	swait.ge [sflag:s22], s20  }
0xa7: {  	s7 =	ssub.s32 $0x0, s20;
	[sflag:s22] =	ssyncset.done $0x0  }
0xa8: {  	[sflag:s22] =	ssyncadd.s32 s7;
	_ =	sdelay $0x1  }
0xa9: {  	s23 =	simm.s32 $0x1B8B  }
0xaa: {  	_ =	swait.ge [sflag:s23], $0x1  }
0xab: {  	[sflag:s23] =	ssyncset.done $0x0  }
0xac: {  	s25 =	simm.s32 $0x1B8E;
	s24 =	sld [smem:$0x3FFE];
	[sflag:s23] =	ssyncadd.s32 $0xFFFFFFFF  }
0xad: {  	s26 =	simm.s32 $execute0_lowered;
	[smem:$0x3FD2] =	sst s25  }
0xae: {  	s8 =	sshll.u32 s26, $0x1;
	_ =	strace $0x80000046;
	[dreg:$0x1] =	wrdreg $0xFFFFFFFF  }
0xaf: {  	s28 =	simm.s32 $_size_execute0_lowered;
	s6 =	sadd.s32 s6, s8;
	[dreg:$0x0] =	wrdreg $0x0  }
0xb0: {  	s8 =	sshll.u32 s28, $0x1;
	[dreg:$0x2] =	wrdreg s6  }
0xb1: {  	[dreg:$0x3] =	wrdreg s8  }
0xb2: {  	[dreg:$0x4] =	wrdreg $0xC0  }
0xb3: {  	_ =	task [dreg:s10], $0x5FFFF  }
0xb4: {  	[dreg:$0x1] =	wrdreg $0xFFFFFFFF  }
0xb5: {  	[dreg:$0x0] =	wrdreg $0x60  }
0xb6: {  	[dreg:$0x2] =	wrdreg s15  }
0xb7: {  	[dreg:$0x3] =	wrdreg s4  }
0xb8: {  	[dreg:$0x4] =	wrdreg s5  }
0xb9: {  	[dreg:$0x5] =	wrdreg s16  }
0xba: {  	[dreg:$0x6] =	wrdreg s24  }
0xbb: {  	[dreg:$0x7] =	wrdreg $0x9  }
0xbc: {  	_ =	task.clear_ibuf [dreg:s10], $0x8FFFF;
	_ =	strace $0x90000046  }
0xbd: {  	s29 =	simm.s32 $0x9;
	_ =	strace $0x80000048  }
0xbe: {  	_ =	swait.ge [sflag:s29], $0x1  }
0xbf: {  	[sflag:s29] =	ssyncadd.s32 $0xFFFFFFFF  }
0xc0: {  	_ =	strace $0x90000048  }
0xc1: {  	_ =	sfence  }
0xc2: {  	s30 =	sld [smem:$0x0];
	_ =	sdelay $0x2  }
0xc3: {  	s31 =	sshll.u32 s1, $0xD;
	s1 =	sshrl.u32 s1, $0x2  }
0xc4: {  	s3 =	sand.u32 $0x4000, s31;
	s1 =	sadd.s32 s1, s30  }
0xc5: {  	s0 =	sor.u32 s3, s0;
	s1 =	sshll.u32 s1, $0x11  }
0xc6: {  	s0 =	sor.u32 s1, s0  }
0xc7: {  	s0 =	sadd.s32 $0x8F2B, s0  }
0xc8: {  	[sflag:s0] =	ssyncadd.remote.s32 $0x1  }
0xc9: {  	_ =	sfence.sel $0xFFFF  }
0xca: {  	[dreg:$0x0] =	wrdreg $0xFFFFFFFF;
	(pc) =	sbr.abs _section_cstart, $3  }
0xcb: {  	[dreg:$0x1] =	wrdreg $0xFFFFFFFF  }
0xcc: {  	_ =	task.clear_ibuf [dreg:s10], $0x2FFFF;
	_ =	strace $0x9FFFFFFF  }
0xcd: {  	(tm) =	ssettm $0x7FFFFFFF  }
tec
execute0_lowered:
.L_overlay_start_1:
0x0: {  	(tag) =	ssettag $0x1  }
0x1: {  	s0 =	srdreg.scid;
	s2 =	stileid.u32  }
0x2: {  	s8 =	rddreg [dreg:$0x0];
	s0 =	sand.u32 $0x1, s0;
	s2 =	sshll.u32 s2, $0x1  }
0x3: {  	s1 =	rddreg [dreg:$0x2];
	s2 =	sor.u32 s0, s2  }
0x4: {  	s3 =	rddreg [dreg:$0x3];
	s0 =	ssub.s32 $0x2, s0;
	s2 =	smul.u32 $0xC40, s2  }
0x5: {  	s5 =	rddreg [dreg:$0x4];
	s4 =	simm.s32 $0x0;
	s6 =	sshrl.u32 s0, $0x1  }
0x6: {  	[smem:$0x7FF] =	sst s4;
	s0 =	ssub.s32 s0, s6;
	s9 =	smin.u32 s2, $0x17A60  }
0x7: {  	_ =	strace $0x80000047;
	s0 =	smax.u32 s0, $0x1;
	[dreg:$0x6] =	wrdreg s9  }
0x8: {  	s24 =	sadd.s32 $0x1C0, s9;
	[dreg:$0x12] =	wrdreg s0  }
0x9: {  	s25 =	sadd.s32 $0x230, s9;
	[dreg:$0xb] =	wrdreg s24  }
0xa: {  	s2 =	sshrl.u32 s9, $0x3;
	s26 =	sadd.s32 $0x2A0, s9;
	[dreg:$0xc] =	wrdreg s25  }
0xb: {  	s7 =	sshll.u32 s9, $0x5;
	s1 =	sadd.s32 s1, s2;
	[dreg:$0xd] =	wrdreg s26  }
0xc: {  	s22 =	sadd.s32 s8, s7;
	[dreg:$0x7] =	wrdreg s1  }
0xd: {  	s28 =	sadd.s32 s3, s2;
	[dreg:$0x8] =	wrdreg s22  }
0xe: {  	s23 =	sadd.s32 $0xE00, s22;
	[dreg:$0xe] =	wrdreg s28  }
0xf: {  	s5 =	sadd.s32 s2, s5;
	s1 =	sadd.s32 $0x1C00, s22;
	[dreg:$0x9] =	wrdreg s23  }
0x10: {  	s18 =	simm.s32 $0xEC80;
	s29 =	sadd.s32 $0xC00, s5;
	[dreg:$0xa] =	wrdreg s1  }
0x11: {  	s21 =	simm.s32 $0x3800;
	s30 =	sadd.s32 $0x3E00, s5;
	[dreg:$0xf] =	wrdreg s29  }
0x12: {  	v0 =	vlaneseq.u32;
	s24 =	simm.s32 $0xA800;
	s31 =	sadd.s32 $0x7000, s5;
	[dreg:$0x10] =	wrdreg s30  }
0x13: {  	v0 =	vmul.u32 $0x80, v0;
	s2 =	simm.s32 $0x0;
	s22 =	simm.s32 $0x7000;
	[dreg:$0x11] =	wrdreg s31  }
.LBB2_1:
0x14: {  	[dreg:$0x13] =	wrdreg s2  }
0x15: {  	s0 =	rddreg [dreg:$0x1]  }
0x16: {  	s19 =	rddreg [dreg:$0x7]  }
0x17: {  	s20 =	rddreg [dreg:$0x8]  }
0x18: {  	s3 =	simm.s32 $0xE000;
	s1 =	simm.s32 $0x400;
	s25 =	rddreg [dreg:$0x9]  }
0x19: {  	[tilespmem:s18], [sflag:$0x5] =	stream.linear.gather [hbm4b:s0+s4], $0x200, $0x38;
	[tilespmem:$0x12080] =	vst v63  }
0x1a: {  	s23 =	simm.s32 $0x800;
	s26 =	rddreg [dreg:$0xa];
	s28 =	simm.s32 $0x5  }
0x1b: {  	[tilespmem:s3], [sflag:$0x5] =	stream.linear.gather [hbm4b:s19+s4], $0xC40, $0x38;
	[tilespmem:$0x12080] =	vst v63  }
0x1c: {  	s6 =	simm.s32 $0xEEF0;
	s8 =	simm.s32 $0xFB70;
	s9 =	simm.s32 $0x107F0  }
0x1d: {  	[tilespmem:s4], [sflag:$0x1] =	stream.strided.gather [hbm4b:s20+s1], $0x3800, s23, s1, $0x38;
	[tilespmem:$0x12080] =	vst v63  }
0x1e: {  	s13 =	simm.s32 $0x11470;
	s14 =	simm.s32 $0xE0E0;
	s29 =	simm.s32 $0xEF60  }
0x1f: {  	[tilespmem:s21], [sflag:$0x2] =	stream.strided.gather [hbm4b:s25+s1], $0x3800, s23, s1, $0x38;
	[tilespmem:$0x12080] =	vst v63  }
0x20: {  	s15 =	simm.s32 $0xFBE0;
	s16 =	simm.s32 $0x10860;
	s17 =	simm.s32 $0x114E0  }
0x21: {  	[tilespmem:s22], [sflag:$0x3] =	stream.strided.gather [hbm4b:s26+s1], $0x3800, s23, s1, $0x38;
	[tilespmem:$0x12080] =	vst v63  }
0x22: {  	s7 =	simm.s32 $0xE150;
	s2 =	simm.s32 $0xFC50;
	_ =	swait.ge [sflag:s28], $0x200  }
0x23: {  	s30 =	simm.s32 $0x108D0;
	s5 =	simm.s32 $0x10780;
	[sflag:s28] =	ssyncset.done $0x0  }
0x24: {  	s31 =	simm.s32 $0xEE80;
	s12 =	simm.s32 $0x0;
	[sflag:s28] =	ssyncadd.s32 $0xFFFFFE00  }
0x25: {  	s0 =	simm.s32 $0xE070;
	s19 =	simm.s32 $0x11550;
	_ =	swait.ge [sflag:s28], $0xC40  }
0x26: {  	s20 =	simm.s32 $0x11400;
	s23 =	simm.s32 $0xEFD0;
	[sflag:s28] =	ssyncset.done $0x0  }
0x27: {  	s1 =	simm.s32 $0xFB00;
	[dreg:$0x16] =	wrdreg s29;
	[sflag:s28] =	ssyncadd.s32 $0xFFFFF3C0  }
.LBB2_2:
0x28: {  	[dreg:$0x15] =	wrdreg s14  }
0x29: {  	s14 =	smov.u32 s13;
	s13 =	smov.u32 s9;
	s25 =	smul.u32 $0x1C0, s12  }
0x2a: {  	s9 =	smov.u32 s8;
	s8 =	smov.u32 s6;
	s11 =	rddreg [dreg:$0x6]  }
0x2b: {  	s6 =	smov.u32 s0;
	s0 =	smov.u32 s3;
	s3 =	sadd.s32 s11, s25  }
0x2c: {  	s10 =	rddreg [dreg:$0x0];
	s3 =	sshll.u32 s3, $0x5  }
0x2d: {  	s3 =	sadd.s32 s10, s3  }
0x2e: {  	s26 =	simm.s32 $0x400;
	s11 =	simm.s32 $0x800;
	s3 =	sadd.s32 $0x2A00, s3  }
0x2f: {  	[tilespmem:s24], [sflag:$0x4] =	stream.strided.gather [hbm4b:s3+s26], $0x3800, s11, s26, $0x38;
	[tilespmem:$0x12080] =	vst v63  }
0x30: {  	s26 =	simm.s32 $0x1  }
0x31: {  	s28 =	smov.u32 s20;
	s29 =	smov.u32 s5;
	_ =	swait.ge [sflag:s26], $0x3800  }
0x32: {  	s10 =	smov.u32 s1;
	s11 =	smov.u32 s31;
	[sflag:s26] =	ssyncset.done $0x0  }
0x33: {  	[dreg:$0x14] =	wrdreg s0;
	[sflag:s26] =	ssyncadd.s32 $0xFFFFC800;
	s26 =	simm.s32 $0x0  }
.LBB2_3:
0x34: {  	v1 =	vld [tilespmem:s0+$0x0];
	_ =	sdelay $0x7  }
0x35: {  	v1 =	vld.idx.msk [tilespmem:v1+s18+$0x0], $0xffff;
	_ =	sdelay $0x2  }
0x36: {  	v2 =	vmov s26  }
0x37: {  	v2 =	vshll.u32 v2, $0x7  }
0x38: {  	v2 =	vor.u32 v0, v2;
	v3 =	vand.u32 $0xFFFFFF80, v1  }
0x39: {  	v1 =	vand.u32 $0x7F, v1;
	v3 =	vadd.s32 v2, v3  }
0x3a: {  	v1 =	vor.u32 v1, v3  }
0x3b: {  	v3 =	vor.u32 $0x4, v2  }
0x3c: {  	v4 =	vor.u32 $0x2, v2  }
0x3d: {  	v2 =	vor.u32 $0x3, v2;
	_ =	sdelay $0x1  }
0x3e: {  	v1 =	vld.idx.msk [tilespmem:v1+s4+$0x0], $0xffff  }
0x3f: {  	v3 =	vld.idx.msk [tilespmem:v3+s4+$0x0], $0xffff  }
0x40: {  	v4 =	vld.idx.msk [tilespmem:v4+s4+$0x0], $0xffff  }
0x41: {  	p0 =	sne.s32 s26, $0x60;
	v2 =	vld.idx.msk [tilespmem:v2+s4+$0x0], $0xffff  }
.Ltmp0:
0x42: {  	_ = 	snop;
	(pc) =	sbr.rel @p0 .LBB2_3-.Ltmp0, $4  }
0x43: {  	[tilespmem:s11+$0x0] =	vst v1  }
0x44: {  	[tilespmem:s10+$0x0] =	vst v3  }
0x45: {  	s0 =	sadd.s32 $0x10, s0;
	s26 =	sadd.s32 $0x10, s26;
	s11 =	sadd.s32 $0x10, s11;
	[tilespmem:s29+$0x0] =	vst v4  }
0x46: {  	s10 =	sadd.s32 $0x10, s10;
	s29 =	sadd.s32 $0x10, s29;
	[tilespmem:s28+$0x0] =	vst v2;
	s28 =	sadd.s32 $0x10, s28  }
0x47: {  	p0 =	seq.s32 s12, $0x6;
	s3 =	rddreg [dreg:$0xb]  }
0x48: {  	s26 =	simm.s32 $0x0;
	s3 =	sadd.s32 @!p0 s25, s3  }
0x49: {  	s10 =	rddreg [dreg:$0x0];
	v1 =	vmov s26;
	s11 =	simm.s32 @!p0 $0x800;
	s3 =	sshll.u32 @!p0 s3, $0x5  }
0x4a: {  	s28 =	simm.s32 @!p0 $0x0;
	v1 =	vshll.u32 v1, $0x7;
	s3 =	sadd.s32 @!p0 s10, s3;
	s10 =	simm.s32 @!p0 $0x400  }
0x4b: {  	v5 =	vmov s6;
	v8 =	vor.u32 v0, v1;
	[tilespmem:s28], [sflag:$0x1] =	stream.strided.gather @!p0 [hbm4b:s3+s10], $0x3800, s11, s10, $0x38;
	[tilespmem:$0x12080] =	vst v63  }
0x4c: {  	v1 =	vor.u32 $0x3, v8;
	s11 =	simm.s32 $0x2  }
0x4d: {  	v7 =	vor.u32 $0x2, v8;
	_ =	swait.ge [sflag:s11], $0x3800  }
0x4e: {  	v9 =	vor.u32 $0x4, v8;
	[sflag:s11] =	ssyncset.done $0x0  }
0x4f: {  	s28 =	simm.s32 $0x0;
	[sflag:s11] =	ssyncadd.s32 $0xFFFFC800  }
0x50: {  	v10 =	vld.idx.msk [tilespmem:v5+s28+$0x0 ss:$0x1], $0xffff  }
0x51: {  	s0 =	smov.u32 s6;
	s6 =	smov.u32 s8;
	v6 =	vmov s8;
	s8 =	smov.u32 s9;
	v4 =	vld.idx.msk [tilespmem:v1+s21+$0x0], $0xffff  }
0x52: {  	v3 =	vmov s9;
	s9 =	smov.u32 s13;
	v2 =	vmov s13;
	s13 =	smov.u32 s14;
	s29 =	simm.s32 $0x40;
	v1 =	vmov s14;
	v7 =	vld.idx.msk [tilespmem:v7+s21+$0x0], $0xffff  }
.LBB2_5:
0x53: {  	p1 =	sne.s32 s29, $0x180;
	v9 =	vld.idx.msk [tilespmem:v9+s21+$0x0], $0xffff;
	_ =	sdelay $0x4  }
0x54: {  	v10 =	vld.idx.msk [tilespmem:v10+s18+$0x0], $0xffff;
	_ =	sdelay $0x5  }
0x55: {  	v11 =	vand.u32 $0xFFFFFF80, v10  }
0x56: {  	v10 =	vand.u32 $0x7F, v10;
	v8 =	vadd.s32 v8, v11  }
0x57: {  	v8 =	vor.u32 v10, v8;
	_ =	sdelay $0x4  }
0x58: {  	v10 =	vld.idx.msk [tilespmem:v8+s21+$0x0], $0xffff;
	_ =	sdelay $0x1  }
0x59: {  	s26 =	sadd.s32 $0x10, s26  }
0x5a: {  	v8 =	vmov s26  }
0x5b: {  	v8 =	vshll.u32 v8, $0x7  }
0x5c: {  	v8 =	vor.u32 v0, v8  }
0x5d: {  	v11 =	vor.u32 $0x3, v8;
	[tilespmem:v6+s28+$0x0 ss:$0x1] =	vst.idx.msk $0xffff, v10  }
0x5e: {  	v12 =	vor.u32 $0x2, v8;
	[tilespmem:v3+s28+$0x0 ss:$0x1] =	vst.idx.msk $0xffff, v9  }
.Ltmp1:
0x5f: {  	v9 =	vor.u32 $0x4, v8;
	[tilespmem:v2+s28+$0x0 ss:$0x1] =	vst.idx.msk $0xffff, v7;
	(pc) =	sbr.rel @p1 .LBB2_5-.Ltmp1, $4  }
0x60: {  	[tilespmem:v1+s28+$0x0 ss:$0x1] =	vst.idx.msk $0xffff, v4;
	s28 =	sshra.s32 s29, $0x2  }
0x61: {  	v10 =	vld.idx.msk [tilespmem:v5+s28+$0x0 ss:$0x1], $0xffff  }
0x62: {  	v4 =	vld.idx.msk [tilespmem:v11+s21+$0x0], $0xffff  }
0x63: {  	s29 =	sadd.s32 $0x40, s29;
	v7 =	vld.idx.msk [tilespmem:v12+s21+$0x0], $0xffff  }
0x64: {  	_ =	sdelay $0x5  }
0x65: {  	v5 =	vld.idx.msk [tilespmem:v10+s18+$0x0], $0xffff;
	_ =	sdelay $0x4  }
0x66: {  	v10 =	vand.u32 $0xFFFFFF80, v5  }
0x67: {  	v5 =	vand.u32 $0x7F, v5;
	v8 =	vadd.s32 v8, v10  }
0x68: {  	v5 =	vor.u32 v5, v8;
	_ =	sdelay $0x4  }
0x69: {  	v5 =	vld.idx.msk [tilespmem:v5+s21+$0x0], $0xffff  }
0x6a: {  	v8 =	vld.idx.msk [tilespmem:v9+s21+$0x0], $0xffff;
	_ =	sdelay $0x3  }
0x6b: {  	s3 =	rddreg [dreg:$0xc];
	[tilespmem:v6+s28+$0x0 ss:$0x1] =	vst.idx.msk $0xffff, v5  }
0x6c: {  	s26 =	simm.s32 $0x0;
	s10 =	rddreg [dreg:$0x0];
	s3 =	sadd.s32 @!p0 s25, s3;
	[tilespmem:v3+s28+$0x0 ss:$0x1] =	vst.idx.msk $0xffff, v8  }
0x6d: {  	s11 =	simm.s32 @!p0 $0x800;
	s14 =	rddreg [dreg:$0x15];
	s3 =	sshll.u32 @!p0 s3, $0x5;
	v3 =	vmov s26;
	[tilespmem:v2+s28+$0x0 ss:$0x1] =	vst.idx.msk $0xffff, v7  }
0x6e: {  	s3 =	sadd.s32 @!p0 s10, s3;
	s10 =	simm.s32 @!p0 $0x400;
	v2 =	vshll.u32 v3, $0x7;
	[tilespmem:v1+s28+$0x0 ss:$0x1] =	vst.idx.msk $0xffff, v4;
	s28 =	simm.s32 @!p0 $0x3800  }
0x6f: {  	v5 =	vmov s14;
	v8 =	vor.u32 v0, v2;
	[tilespmem:s28], [sflag:$0x2] =	stream.strided.gather @!p0 [hbm4b:s3+s10], $0x3800, s11, s10, $0x38;
	[tilespmem:$0x12080] =	vst v63  }
0x70: {  	v1 =	vor.u32 $0x3, v8;
	s10 =	simm.s32 $0x3  }
0x71: {  	v7 =	vor.u32 $0x2, v8;
	_ =	swait.ge [sflag:s10], $0x3800  }
0x72: {  	v9 =	vor.u32 $0x4, v8;
	[sflag:s10] =	ssyncset.done $0x0  }
0x73: {  	s28 =	simm.s32 $0x0;
	[sflag:s10] =	ssyncadd.s32 $0xFFFFC800  }
0x74: {  	v10 =	vld.idx.msk [tilespmem:v5+s28+$0x0 ss:$0x1], $0xffff  }
0x75: {  	v3 =	vmov s15;
	s11 =	rddreg [dreg:$0x16];
	v4 =	vld.idx.msk [tilespmem:v1+s22+$0x0], $0xffff  }
0x76: {  	s29 =	simm.s32 $0x40;
	v2 =	vmov s16;
	v6 =	vmov s11;
	v1 =	vmov s17;
	v7 =	vld.idx.msk [tilespmem:v7+s22+$0x0], $0xffff  }
.LBB2_7:
0x77: {  	p1 =	sne.s32 s29, $0x180;
	v9 =	vld.idx.msk [tilespmem:v9+s22+$0x0], $0xffff;
	_ =	sdelay $0x4  }
0x78: {  	v10 =	vld.idx.msk [tilespmem:v10+s18+$0x0], $0xffff;
	_ =	sdelay $0x5  }
0x79: {  	v11 =	vand.u32 $0xFFFFFF80, v10  }
0x7a: {  	v10 =	vand.u32 $0x7F, v10;
	v8 =	vadd.s32 v8, v11  }
0x7b: {  	v8 =	vor.u32 v10, v8;
	_ =	sdelay $0x4  }
0x7c: {  	v10 =	vld.idx.msk [tilespmem:v8+s22+$0x0], $0xffff;
	_ =	sdelay $0x1  }
0x7d: {  	s26 =	sadd.s32 $0x10, s26  }
0x7e: {  	v8 =	vmov s26  }
0x7f: {  	v8 =	vshll.u32 v8, $0x7  }
0x80: {  	v8 =	vor.u32 v0, v8  }
0x81: {  	v11 =	vor.u32 $0x3, v8;
	[tilespmem:v6+s28+$0x0 ss:$0x1] =	vst.idx.msk $0xffff, v10  }
0x82: {  	v12 =	vor.u32 $0x2, v8;
	[tilespmem:v3+s28+$0x0 ss:$0x1] =	vst.idx.msk $0xffff, v9  }
.Ltmp2:
0x83: {  	v9 =	vor.u32 $0x4, v8;
	[tilespmem:v2+s28+$0x0 ss:$0x1] =	vst.idx.msk $0xffff, v7;
	(pc) =	sbr.rel @p1 .LBB2_7-.Ltmp2, $4  }
0x84: {  	[tilespmem:v1+s28+$0x0 ss:$0x1] =	vst.idx.msk $0xffff, v4;
	s28 =	sshra.s32 s29, $0x2  }
0x85: {  	v10 =	vld.idx.msk [tilespmem:v5+s28+$0x0 ss:$0x1], $0xffff  }
0x86: {  	v4 =	vld.idx.msk [tilespmem:v11+s22+$0x0], $0xffff  }
0x87: {  	s29 =	sadd.s32 $0x40, s29;
	v7 =	vld.idx.msk [tilespmem:v12+s22+$0x0], $0xffff  }
0x88: {  	_ =	sdelay $0x5  }
0x89: {  	v5 =	vld.idx.msk [tilespmem:v10+s18+$0x0], $0xffff;
	_ =	sdelay $0x4  }
0x8a: {  	v10 =	vand.u32 $0xFFFFFF80, v5  }
0x8b: {  	v5 =	vand.u32 $0x7F, v5;
	v8 =	vadd.s32 v8, v10  }
0x8c: {  	v5 =	vor.u32 v5, v8;
	_ =	sdelay $0x4  }
0x8d: {  	v5 =	vld.idx.msk [tilespmem:v5+s22+$0x0], $0xffff  }
0x8e: {  	v8 =	vld.idx.msk [tilespmem:v9+s22+$0x0], $0xffff;
	_ =	sdelay $0x3  }
0x8f: {  	s3 =	rddreg [dreg:$0xd];
	s26 =	simm.s32 $0x0;
	[tilespmem:v6+s28+$0x0 ss:$0x1] =	vst.idx.msk $0xffff, v5  }
0x90: {  	s10 =	rddreg [dreg:$0x0];
	s3 =	sadd.s32 @!p0 s25, s3;
	[tilespmem:v3+s28+$0x0 ss:$0x1] =	vst.idx.msk $0xffff, v8;
	v3 =	vmov s26  }
0x91: {  	s11 =	simm.s32 @!p0 $0x800;
	s29 =	simm.s32 $0x4;
	s3 =	sshll.u32 @!p0 s3, $0x5;
	[tilespmem:v2+s28+$0x0 ss:$0x1] =	vst.idx.msk $0xffff, v7;
	v2 =	vshll.u32 v3, $0x7  }
0x92: {  	s25 =	simm.s32 @!p0 $0x7000;
	s3 =	sadd.s32 @!p0 s10, s3;
	s10 =	simm.s32 @!p0 $0x400;
	v7 =	vmov s7;
	[tilespmem:v1+s28+$0x0 ss:$0x1] =	vst.idx.msk $0xffff, v4;
	v8 =	vor.u32 v0, v2  }
0x93: {  	[tilespmem:s25], [sflag:$0x3] =	stream.strided.gather @!p0 [hbm4b:s3+s10], $0x3800, s11, s10, $0x38;
	v1 =	vor.u32 $0x3, v8;
	[tilespmem:$0x12080] =	vst v63  }
0x94: {  	v6 =	vor.u32 $0x2, v8;
	_ =	swait.ge [sflag:s29], $0x3800  }
0x95: {  	v9 =	vor.u32 $0x4, v8;
	[sflag:s29] =	ssyncset.done $0x0  }
0x96: {  	s25 =	simm.s32 $0x0;
	[sflag:s29] =	ssyncadd.s32 $0xFFFFC800  }
0x97: {  	v10 =	vld.idx.msk [tilespmem:v7+s25+$0x0 ss:$0x1], $0xffff  }
0x98: {  	v5 =	vmov s23;
	v3 =	vld.idx.msk [tilespmem:v1+s24+$0x0], $0xffff  }
0x99: {  	v4 =	vmov s2;
	v2 =	vmov s30;
	s28 =	simm.s32 $0x40;
	v1 =	vmov s19;
	v6 =	vld.idx.msk [tilespmem:v6+s24+$0x0], $0xffff  }
.LBB2_9:
0x9a: {  	p0 =	sne.s32 s28, $0x180;
	v9 =	vld.idx.msk [tilespmem:v9+s24+$0x0], $0xffff;
	_ =	sdelay $0x4  }
0x9b: {  	v10 =	vld.idx.msk [tilespmem:v10+s18+$0x0], $0xffff;
	_ =	sdelay $0x5  }
0x9c: {  	v11 =	vand.u32 $0xFFFFFF80, v10  }
0x9d: {  	v10 =	vand.u32 $0x7F, v10;
	v8 =	vadd.s32 v8, v11  }
0x9e: {  	v8 =	vor.u32 v10, v8;
	_ =	sdelay $0x4  }
0x9f: {  	v10 =	vld.idx.msk [tilespmem:v8+s24+$0x0], $0xffff;
	_ =	sdelay $0x1  }
0xa0: {  	s26 =	sadd.s32 $0x10, s26  }
0xa1: {  	v8 =	vmov s26  }
0xa2: {  	v8 =	vshll.u32 v8, $0x7  }
0xa3: {  	v8 =	vor.u32 v0, v8  }
0xa4: {  	v11 =	vor.u32 $0x3, v8;
	[tilespmem:v5+s25+$0x0 ss:$0x1] =	vst.idx.msk $0xffff, v10  }
0xa5: {  	v12 =	vor.u32 $0x2, v8;
	[tilespmem:v4+s25+$0x0 ss:$0x1] =	vst.idx.msk $0xffff, v9  }
.Ltmp3:
0xa6: {  	v9 =	vor.u32 $0x4, v8;
	[tilespmem:v2+s25+$0x0 ss:$0x1] =	vst.idx.msk $0xffff, v6;
	(pc) =	sbr.rel @p0 .LBB2_9-.Ltmp3, $4  }
0xa7: {  	[tilespmem:v1+s25+$0x0 ss:$0x1] =	vst.idx.msk $0xffff, v3;
	s25 =	sshra.s32 s28, $0x2  }
0xa8: {  	v10 =	vld.idx.msk [tilespmem:v7+s25+$0x0 ss:$0x1], $0xffff  }
0xa9: {  	v3 =	vld.idx.msk [tilespmem:v11+s24+$0x0], $0xffff  }
0xaa: {  	s28 =	sadd.s32 $0x40, s28;
	v6 =	vld.idx.msk [tilespmem:v12+s24+$0x0], $0xffff  }
0xab: {  	_ =	sdelay $0x5  }
0xac: {  	v7 =	vld.idx.msk [tilespmem:v10+s18+$0x0], $0xffff;
	_ =	sdelay $0x4  }
0xad: {  	v10 =	vand.u32 $0xFFFFFF80, v7  }
0xae: {  	v7 =	vand.u32 $0x7F, v7;
	v8 =	vadd.s32 v8, v10  }
0xaf: {  	v7 =	vor.u32 v7, v8;
	_ =	sdelay $0x4  }
0xb0: {  	s12 =	sadd.s32 $0x1, s12;
	s3 =	rddreg [dreg:$0x14];
	v7 =	vld.idx.msk [tilespmem:v7+s24+$0x0], $0xffff  }
0xb1: {  	v63 =	vld.idx.msk [tilespmem:v9+s24+$0x0], $0xffff;
	s31 =	sadd.s32 $0x1C0, s31;
	s1 =	sadd.s32 $0x1C0, s1;
	s5 =	sadd.s32 $0x1C0, s5  }
0xb2: {  	s20 =	sadd.s32 $0x1C0, s20;
	s0 =	sadd.s32 $0x1C0, s0;
	s6 =	sadd.s32 $0x1C0, s6  }
0xb3: {  	s8 =	sadd.s32 $0x1C0, s8;
	s9 =	sadd.s32 $0x1C0, s9;
	p0 =	sne.s32 s12, $0x7  }
.Ltmp4:
0xb4: {  	s13 =	sadd.s32 $0x1C0, s13;
	s14 =	sadd.s32 $0x1C0, s14;
	(pc) =	sbr.rel @p0 .LBB2_2-.Ltmp4, $4  }
0xb5: {  	s10 =	rddreg [dreg:$0x16];
	s15 =	sadd.s32 $0x1C0, s15;
	s16 =	sadd.s32 $0x1C0, s16;
	[tilespmem:v5+s25+$0x0 ss:$0x1] =	vst.idx.msk $0xffff, v7  }
0xb6: {  	s17 =	sadd.s32 $0x1C0, s17;
	s7 =	sadd.s32 $0x1C0, s7;
	s23 =	sadd.s32 $0x1C0, s23;
	[tilespmem:v4+s25+$0x0 ss:$0x1] =	vst.idx.msk $0xffff, v63  }
0xb7: {  	s2 =	sadd.s32 $0x1C0, s2;
	s30 =	sadd.s32 $0x1C0, s30;
	s10 =	sadd.s32 $0x1C0, s10;
	[tilespmem:v2+s25+$0x0 ss:$0x1] =	vst.idx.msk $0xffff, v6  }
0xb8: {  	s19 =	sadd.s32 $0x1C0, s19;
	s3 =	sadd.s32 $0x1C0, s3;
	[dreg:$0x16] =	wrdreg s10;
	[tilespmem:v1+s25+$0x0 ss:$0x1] =	vst.idx.msk $0xffff, v3  }
0xb9: {  	s0 =	rddreg [dreg:$0xe];
	s1 =	simm.s32 $0xEE80  }
0xba: {  	[hbm4b:s0+s4] =	stream.linear.scatter [tilespmem:s1], [sflag:$0x6], $0xC40, $0x38;
	[tilespmem:$0x12080] =	vst v63  }
0xbb: {  	s20 =	rddreg [dreg:$0xf];
	s23 =	simm.s32 $0xFB00  }
0xbc: {  	[hbm4b:s20+s4] =	stream.linear.scatter [tilespmem:s23], [sflag:$0x6], $0xC40, $0x38;
	[tilespmem:$0x12080] =	vst v63  }
0xbd: {  	s25 =	rddreg [dreg:$0x10];
	s26 =	simm.s32 $0x10780  }
0xbe: {  	[hbm4b:s25+s4] =	stream.linear.scatter [tilespmem:s26], [sflag:$0x6], $0xC40, $0x38;
	[tilespmem:$0x12080] =	vst v63  }
0xbf: {  	s28 =	rddreg [dreg:$0x11];
	s29 =	simm.s32 $0x11400;
	s30 =	simm.s32 $0x6  }
0xc0: {  	[hbm4b:s28+s4] =	stream.linear.scatter [tilespmem:s29], [sflag:$0x6], $0xC40, $0x38;
	[tilespmem:$0x12080] =	vst v63  }
0xc1: {  	_ =	swait.ge [sflag:s30], $0xC40  }
0xc2: {  	[sflag:s30] =	ssyncset.done $0x0  }
0xc3: {  	[sflag:s30] =	ssyncadd.s32 $0xFFFFF3C0  }
0xc4: {  	_ =	swait.ge [sflag:s30], $0xC40  }
0xc5: {  	[sflag:s30] =	ssyncset.done $0x0  }
0xc6: {  	[sflag:s30] =	ssyncadd.s32 $0xFFFFF3C0  }
0xc7: {  	_ =	swait.ge [sflag:s30], $0xC40  }
0xc8: {  	[sflag:s30] =	ssyncset.done $0x0  }
0xc9: {  	[sflag:s30] =	ssyncadd.s32 $0xFFFFF3C0  }
0xca: {  	_ =	swait.ge [sflag:s30], $0xC40  }
0xcb: {  	s2 =	rddreg [dreg:$0x13]  }
0xcc: {  	s31 =	rddreg [dreg:$0x12];
	s2 =	sadd.s32 $0x1, s2  }
0xcd: {  	p0 =	sne.s32 s2, s31  }
.Ltmp5:
0xce: {  	_ = 	snop;
	(pc) =	sbr.rel @p0 .LBB2_1-.Ltmp5, $3  }
0xcf: {  	_ =	sdelay $0x1  }
0xd0: {  	[sflag:s30] =	ssyncset.done $0x0  }
0xd1: {  	[sflag:s30] =	ssyncadd.s32 $0xFFFFF3C0  }
0xd2: {  	_ =	sfence.sel $0x180000  }
0xd3: {  	[bflag:$0x0] =	sbarrier.arrive $0xFFFF  }
0xd4: {  	_ =	strace $0x90000047  }
0xd5: {  	s0 =	stileid.u32;
	[bflag:$0x2] =	sbarrier.arrive $0xFFFF  }
0xd6: {  	p0 =	sne.s32 s0, $0x0;
	s0 =	rddreg [dreg:$0x5]  }
0xd7: {  	s0 =	sadd.s32 @!p0 $0x100000, s0  }
0xd8: {  	[sflag:s0] =	ssyncadd.tile.s32 @!p0 $0x1;
	_ =	shalt  }
.Lfunc_end2:
_tile_overlayer_lowered:
.L_overlay_start_2:
0xd9: {  	(tag) =	ssettag $0x2  }
0xda: {  	s0 =	rddreg [dreg:$0x0];
	s2 =	stileid.u32  }
0xdb: {  	s1 =	rddreg [dreg:$0x1];
	p0 =	sne.s32 s2, $0x0  }
0xdc: {  	s3 =	rddreg [dreg:$0x2];
	[bflag:$0x3] =	sbarrier.arrive $0xFFFF;
	s2 =	simm.s32 @!p0 $0x1C07  }
0xdd: {  	[timem:s3], [sflag:s2] =	dma.local @!p0 [hbm:s0], s1  }
0xde: {  	s0 =	simm.s32 @!p0 $0x7  }
0xdf: {  	_ =	swait.ge @!p0 [sflag:s0], s1  }
0xe0: {  	s1 =	ssub.s32 @!p0 $0x0, s1;
	[sflag:s0] =	ssyncset.done @!p0 $0x0  }
0xe1: {  	[sflag:s0] =	ssyncadd.s32 @!p0 s1  }
0xe2: {  	[bflag:$0x3] =	sbarrier.arrive $0xFFFF  }
0xe3: {  	_ =	shalt  }

</sc_bundles>
